<compile_context>
chip_gen: v7x
topology: tpu7x:2x2x1
jax: 0.10.2.dev20260603
libtpu: 0.0.44.dev20260713+nightly
codegen_flags: <defaults>
</compile_context>

<pallas_src>
import functools

import jax
import jax.numpy as jnp
from jax import lax
from jax.experimental import pallas as pl
from jax.experimental.pallas import tpu as pltpu
from jax.experimental.pallas import tpu_sc as plsc

GH, GW, NA, CIN, CMID = 32, 32, 9, 768, 256
NPOS = GH * GW
N = NPOS * NA
BK = 128
NB = N // BK
MAX_POST = 2000
NOUT = 2048
NOB = NOUT // BK
IOU_T = 0.7
CW = 1024
SC_NW = 32
BPW = N // SC_NW


def _heads_kernel(x_ref, wb_ref, bb_ref, wc_ref, bc_ref, wr_ref, br_ref,
                  valid_ref, cls_ref, reg_ref, sm_ref):
    h = jnp.maximum(
        jnp.dot(x_ref[:], wb_ref[:], preferred_element_type=jnp.float32)
        + bb_ref[:], 0.0)
    logits = jnp.dot(h, wc_ref[:], preferred_element_type=jnp.float32) + bc_ref[:]
    cls = jax.nn.sigmoid(logits)
    reg = jnp.dot(h, wr_ref[:], preferred_element_type=jnp.float32) + br_ref[:]
    cls_ref[:] = cls
    reg_ref[:] = reg
    sm_ref[:] = jnp.where(valid_ref[:] > 0.0, cls, -jnp.inf)


def _rank_kernel(s_row_ref, s_col_ref, a4_ref, rank_ref, p16_ref, p4s,
                 spad_r, aux_r):
    f32 = jnp.float32
    a0 = a4_ref[0:1, :]
    a1 = a4_ref[1:2, :]
    a2 = a4_ref[2:3, :]
    a3 = a4_ref[3:4, :]
    c0 = a0 + a0 * a2
    c1 = a1 + a1 * a3
    w0 = a2 * jnp.exp(a2)
    w1 = a3 * jnp.exp(a3)
    P0 = c0 - w0 * 0.5
    P1 = c1 - w1 * 0.5
    P2 = c0 + w0 * 0.5
    P3 = c1 + w1 * 0.5
    p4s[:] = jnp.concatenate([P0, P1, P2, P3], axis=0)

    iota_c = jax.lax.broadcasted_iota(jnp.int32, (BK, 1), 0)
    iota_r = jax.lax.broadcasted_iota(jnp.int32, (1, BK), 1)
    su_bool = iota_c < iota_r
    zpad = jnp.zeros((BK, 124), f32)
    spad_r[0:1, 0:N] = s_row_ref[:]
    spad_r[0:1, N:N + CW] = jnp.full((1, CW), -jnp.inf, f32)
    aux_r[:] = jnp.zeros((1, N + CW), f32)

    idx_row = jax.lax.broadcasted_iota(jnp.int32, (1, N), 1)
    s_row = s_row_ref[:]

    def body(bi, carry):
        base = bi * BK
        sc = s_col_ref[pl.ds(base, BK), :]
        ic = iota_c + base
        gt = (s_row > sc).astype(f32)
        tie = ((s_row == sc) & (idx_row > ic)).astype(f32)
        rk = jnp.sum(gt + tie, axis=1, keepdims=True)
        rank_ref[pl.ds(base, BK), :] = rk.astype(jnp.int32)
        blk = jnp.transpose(p4s[:, pl.ds(base, BK)], (1, 0))
        p16_ref[pl.ds(base, BK), :] = jnp.concatenate([blk, zpad], axis=1)
        return carry

    jax.lax.fori_loop(0, NB, body, 0, unroll=False)


def _permute_sc(p16_hbm, rank_hbm, out_hbm, idx_v, rows_v, sem):
    wid = lax.axis_index("s") * 2 + lax.axis_index("c")
    base = wid * BPW
    pltpu.sync_copy(rank_hbm.at[pl.ds(base, BPW)], idx_v)
    pltpu.sync_copy(p16_hbm.at[pl.ds(base, BPW)], rows_v)
    pltpu.async_copy(rows_v, out_hbm.at[idx_v], sem).wait()


def _nms_kernel(sb_ref, out_ref, sP, keep_r, sup_r, destk_c):
    f32 = jnp.float32
    iota_c = jax.lax.broadcasted_iota(jnp.int32, (BK, 1), 0)
    iota_r = jax.lax.broadcasted_iota(jnp.int32, (1, BK), 1)
    strict_upper = (iota_c < iota_r).astype(f32)

    def plane_body(b, carry):
        base = b * BK
        t = jnp.transpose(sb_ref[pl.ds(base, BK), :], (1, 0))
        sP[:, pl.ds(base, BK)] = t[0:4, :]
        return carry

    jax.lax.fori_loop(0, NB, plane_body, 0, unroll=False)
    sup_r[:] = jnp.zeros((1, N + CW), f32)

    def nms_body(b, carry):
        base = b * BK
        y1c = sb_ref[pl.ds(base, BK), 0:1]
        x1c = sb_ref[pl.ds(base, BK), 1:2]
        y2c = sb_ref[pl.ds(base, BK), 2:3]
        x2c = sb_ref[pl.ds(base, BK), 3:4]
        ac = (y2c - y1c) * (x2c - x1c)
        y1r = sP[0:1, pl.ds(base, BK)]
        x1r = sP[1:2, pl.ds(base, BK)]
        y2r = sP[2:3, pl.ds(base, BK)]
        x2r = sP[3:4, pl.ds(base, BK)]
        ar = (y2r - y1r) * (x2r - x1r)
        supc = jnp.transpose(sup_r[0:1, pl.ds(base, BK)], (1, 0))
        ih = jnp.minimum(y2c, y2r) - jnp.maximum(y1c, y1r)
        iw = jnp.minimum(x2c, x2r) - jnp.maximum(x1c, x1r)
        inter = jnp.maximum(ih, 0.0) * jnp.maximum(iw, 0.0)
        Sb = (inter > IOU_T * (ac + ar - inter + 1e-9)).astype(f32) * strict_upper
        init_r = jnp.transpose((supc == 0.0).astype(f32), (1, 0))

        def fcond(st):
            it, changed, _ = st
            return (it < BK + 2) & changed

        def fbody(st):
            it, _, k = st
            su = jnp.dot(k, Sb, preferred_element_type=f32)
            nk = init_r * (su == 0.0).astype(f32)
            return it + 1, jnp.any(nk != k), nk

        _, _, k_row = jax.lax.while_loop(fcond, fbody, (0, True, init_r))
        keep_r[0:1, pl.ds(base, BK)] = k_row
        k_col = jnp.transpose(k_row, (1, 0))
        tac = ac + 1e-9

        def chunk_body(t, c):
            cb = base + BK + t * CW
            jy1 = sP[0:1, pl.ds(cb, CW)]
            jx1 = sP[1:2, pl.ds(cb, CW)]
            jy2 = sP[2:3, pl.ds(cb, CW)]
            jx2 = sP[3:4, pl.ds(cb, CW)]
            jar = (jy2 - jy1) * (jx2 - jx1)
            cih = jnp.minimum(y2c, jy2) - jnp.maximum(y1c, jy1)
            ciw = jnp.minimum(x2c, jx2) - jnp.maximum(x1c, jx1)
            cin_ = jnp.maximum(cih, 0.0) * jnp.maximum(ciw, 0.0)
            csup = (cin_ > IOU_T * (tac + jar - cin_)).astype(f32) * k_col
            news = (jnp.sum(csup, axis=0, keepdims=True) > 0.0).astype(f32)
            sup_r[0:1, pl.ds(cb, CW)] = jnp.maximum(sup_r[0:1, pl.ds(cb, CW)], news)
            return c

        ntrip = (N - base - BK + CW - 1) // CW
        jax.lax.fori_loop(0, ntrip, chunk_body, 0, unroll=False)
        return carry

    jax.lax.fori_loop(0, NB, nms_body, 0, unroll=False)

    def dest_body(b, nkept):
        krb = keep_r[0:1, pl.ds(b * BK, BK)]
        excl = jnp.dot(krb, strict_upper, preferred_element_type=f32)
        destk = jnp.where(krb > 0.0, excl + nkept, -1.0)
        destk_c[pl.ds(b * BK, BK), :] = jnp.transpose(destk, (1, 0))
        return nkept + jnp.sum(krb)

    nkept = jax.lax.fori_loop(0, NB, dest_body, 0.0, unroll=False)

    destk_all = destk_c[:]
    sb0 = sP[:, 0:1]

    def out_body(ob, carry):
        p = (iota_r + ob * BK).astype(f32)
        oh = (destk_all == p).astype(f32)
        blk = jnp.dot(sP[:, 0:N], oh, preferred_element_type=f32,
                      precision=jax.lax.Precision.HIGHEST)
        blk = blk + (p >= nkept).astype(f32) * sb0
        out_ref[:, pl.ds(ob * BK, BK)] = blk
        return carry

    jax.lax.fori_loop(0, NOB, out_body, 0, unroll=False)


@functools.partial(jax.jit, static_argnames=())
def _run(feats, ancs, ancs_valid, W_b, b_b, W_cls, b_cls, W_reg, b_reg):
    x = feats.reshape(NPOS, CIN)
    valid2d = ancs_valid.reshape(NPOS, NA)
    cls2d, reg2d, sm2d = pl.pallas_call(
        _heads_kernel,
        out_shape=(
            jax.ShapeDtypeStruct((NPOS, NA), jnp.float32),
            jax.ShapeDtypeStruct((NPOS, NA * 4), jnp.float32),
            jax.ShapeDtypeStruct((NPOS, NA), jnp.float32),
        ),
    )(x, W_b, b_b.reshape(1, CMID), W_cls, b_cls.reshape(1, NA),
      W_reg, b_reg.reshape(1, NA * 4), valid2d)

    s_row = sm2d.reshape(1, N)
    s_col = sm2d.reshape(N, 1)
    a4 = ancs.reshape(N, 4).T

    rank2d, p16 = pl.pallas_call(
        _rank_kernel,
        out_shape=(
            jax.ShapeDtypeStruct((N, 1), jnp.int32),
            jax.ShapeDtypeStruct((N, 128), jnp.float32),
        ),
        scratch_shapes=[
            pltpu.VMEM((4, N), jnp.float32),
            pltpu.VMEM((1, N + CW), jnp.float32),
            pltpu.VMEM((1, N + CW), jnp.float32),
        ],
    )(s_row, s_col, a4)

    mesh = plsc.VectorSubcoreMesh(core_axis_name="c", subcore_axis_name="s")
    sorted16 = pl.kernel(
        _permute_sc,
        mesh=mesh,
        out_type=jax.ShapeDtypeStruct((N, 128), jnp.float32),
        scratch_types=[
            pltpu.VMEM((BPW,), jnp.int32),
            pltpu.VMEM((BPW, 128), jnp.float32),
            pltpu.SemaphoreType.DMA,
        ],
    )(p16, rank2d.reshape(N))

    out4 = pl.pallas_call(
        _nms_kernel,
        out_shape=jax.ShapeDtypeStruct((4, NOUT), jnp.float32),
        scratch_shapes=[
            pltpu.VMEM((4, N + CW), jnp.float32),
            pltpu.VMEM((1, N), jnp.float32),
            pltpu.VMEM((1, N + CW), jnp.float32),
            pltpu.VMEM((N, 1), jnp.float32),
        ],
    )(sorted16)

    cls_pred = cls2d.reshape(1, GH, GW, NA)
    reg_pred = reg2d.reshape(1, GH, GW, NA, 4)
    boxes = out4.T[:MAX_POST, :]
    return (cls_pred, reg_pred, boxes)


def kernel(feats, ancs, ancs_valid, W_b, b_b, W_cls, b_cls, W_reg, b_reg):
    return _run(feats, ancs, ancs_valid, W_b, b_b, W_cls, b_cls, W_reg, b_reg)

# --- scband reference (transcript-rebuilt; emitter-appended) ---
"""Pipeline reference for scband-faster-rcnn-69329362092687 (READ-ONLY COPY).

The authoritative reference and input builder live on the scoring server;
editing this copy changes nothing except your own understanding.
"""

import jax, jax.numpy as jnp
import numpy as np

GH, GW, NA, CIN, CMID = 32, 32, 9, 768, 256
MAX_PRE, MAX_POST, IOU_T = 12000, 2000, 0.7


def ccwh_to_xyxy(b):
    xy1 = b[..., :2] - b[..., 2:] * 0.5
    xy2 = b[..., :2] + b[..., 2:] * 0.5
    return jnp.concatenate([xy1, xy2], axis=-1)


def apply_offsets(ancs, reg):
    ctr = ancs[:, :2] + reg[:, :2] * ancs[:, 2:]
    wh = ancs[:, 2:] * jnp.exp(reg[:, 2:])
    return jnp.concatenate([ctr, wh], axis=-1)


def iou_one_to_many(box, boxes):
    y1 = jnp.maximum(box[0], boxes[:, 0])
    x1 = jnp.maximum(box[1], boxes[:, 1])
    y2 = jnp.minimum(box[2], boxes[:, 2])
    x2 = jnp.minimum(box[3], boxes[:, 3])
    inter = jnp.maximum(0.0, y2 - y1) * jnp.maximum(0.0, x2 - x1)
    a1 = (box[2] - box[0]) * (box[3] - box[1])
    a2 = (boxes[:, 2] - boxes[:, 0]) * (boxes[:, 3] - boxes[:, 1])
    return inter / (a1 + a2 - inter + 1e-9)


def greedy_nms(boxes, max_out, thresh):
    # boxes assumed sorted by descending objectness (matches tf.image.non_max_suppression semantics)
    n = boxes.shape[0]
    rng = jnp.arange(n)

    def body(i, keep):
        row = iou_one_to_many(boxes[i], boxes)
        suppress = (row > thresh) & (rng > i) & keep[i]
        return keep & (~suppress)

    keep = jax.lax.fori_loop(0, n, body, jnp.ones((n,), dtype=bool))
    idx = jnp.nonzero(keep, size=max_out, fill_value=0)[0]
    return idx


def setup_inputs(seed: int = 0) -> dict:
    key = jax.random.key(seed)
    ks = jax.random.split(key, 8)
    feats = jax.random.normal(ks[0], (1, GH, GW, CIN), dtype=jnp.float32)
    ancs = jax.random.uniform(ks[1], (GH, GW, NA, 4), dtype=jnp.float32)
    ancs_valid = jnp.ones((GH, GW, NA), dtype=jnp.float32)
    W_b = jax.random.normal(ks[2], (CIN, CMID), dtype=jnp.float32) * 0.01
    b_b = jnp.zeros((CMID,), dtype=jnp.float32)
    W_cls = jax.random.normal(ks[3], (CMID, NA), dtype=jnp.float32) * 0.01
    b_cls = jnp.zeros((NA,), dtype=jnp.float32)
    W_reg = jax.random.normal(ks[4], (CMID, NA * 4), dtype=jnp.float32) * 0.01
    b_reg = jnp.zeros((NA * 4,), dtype=jnp.float32)
    return {"feats": feats, "ancs": ancs, "ancs_valid": ancs_valid,
            "W_b": W_b, "b_b": b_b, "W_cls": W_cls, "b_cls": b_cls,
            "W_reg": W_reg, "b_reg": b_reg}


def reference(feats, ancs, ancs_valid, W_b, b_b, W_cls, b_cls, W_reg, b_reg):
    # 1x1 conv bottleneck + relu
    h = jax.nn.relu(jnp.einsum('bhwc,cd->bhwd', feats, W_b) + b_b)
    # cls head (sigmoid) and reg head
    cls_pred = jax.nn.sigmoid(jnp.einsum('bhwc,cd->bhwd', h, W_cls) + b_cls)
    reg_pred = jnp.einsum('bhwc,cd->bhwd', h, W_reg) + b_reg
    reg_pred = reg_pred.reshape(reg_pred.shape[0], reg_pred.shape[1], reg_pred.shape[2], NA, 4)

    # extract_proposals (faithful to original, including reg_pred = ancs overwrite)
    cls_f = cls_pred.reshape(-1)
    reg_f = reg_pred.reshape(-1, 4)
    ancs_f = ancs.reshape(-1, 4)
    valid = ancs_valid.reshape(-1) > 0
    cls_f = jnp.where(valid, cls_f, -jnp.inf)
    reg_f = ancs_f  # NOTE: original code overwrites reg_pred with anchors (bug kept faithfully)
    ancs_f2 = ancs_f
    proposals = apply_offsets(ancs_f2, reg_f)
    proposals = ccwh_to_xyxy(proposals)
    order = jnp.argsort(cls_f)[::-1]
    proposals = proposals[order][:MAX_PRE]
    objectness = cls_f[order][:MAX_PRE]
    idx = greedy_nms(proposals, MAX_POST, IOU_T)
    return (cls_pred, reg_pred, proposals[idx])

if __name__ == "__main__":
    import jax
    _d = setup_inputs()
    print(jax.jit(kernel)(*tuple(_d.values())))

</pallas_src>

<mosaic_0001>
#map = affine_map<(d0, d1) -> (0, 0)>
#map1 = affine_map<(d0, d1) -> (0)>
module attributes {stable_mosaic.version = 14 : i64} {
  func.func @_permute_sc(%arg0: i32, %arg1: i32, %arg2: memref<9216x128xf32, #tpu.memory_space<hbm>>, %arg3: memref<9216xi32, #tpu.memory_space<hbm>>, %arg4: memref<9216x128xf32, #tpu.memory_space<hbm>>, %arg5: memref<288xi32, #tpu.memory_space<vmem>>, %arg6: memref<288x128xf32, #tpu.memory_space<vmem>>, %arg7: memref<!tpu.dma_semaphore, #tpu.memory_space<semaphore_mem>>) attributes {dimension_semantics = [#tpu.dimension_semantics<core_parallel>, #tpu.dimension_semantics<subcore_parallel>], iteration_bounds = array<i64: 2, 16>, scalar_prefetch = 0 : i64, scratch_operands = 3 : i64, tpu.core_type = #tpu.core_type<sc_vector_subcore>, window_params = [{transform_indices = #map}, {transform_indices = #map1}, {transform_indices = #map}]} {
    %mul3A = arith.constant 2 : i32
    %mul3A_0 = arith.muli %arg1, %mul3A : i32
    %add3A = arith.addi %mul3A_0, %arg0 : i32
    %mul3A_1 = arith.constant 288 : i32
    %mul3A_2 = arith.muli %add3A, %mul3A_1 : i32
    "tpu.region"() ({
      %run_scoped3A = tpu.sem_alloc : memref<!tpu.dma_semaphore, #tpu.memory_space<semaphore_mem>>
      %dma_start3A_7 = tpu.memref_slice %arg3[%mul3A_2] : memref<9216xi32, #tpu.memory_space<hbm>> -> memref<288xi32, #tpu.memory_space<hbm>>
      %dma_start3A_8 = tpu.memref_slice %arg3[%mul3A_2] : memref<9216xi32, #tpu.memory_space<hbm>> -> memref<288xi32, #tpu.memory_space<hbm>>
      tpu.enqueue_dma source(%dma_start3A_8 : memref<288xi32, #tpu.memory_space<hbm>>) target(%arg5 : memref<288xi32, #tpu.memory_space<vmem>>) target_semaphore(%run_scoped3A : memref<!tpu.dma_semaphore, #tpu.memory_space<semaphore_mem>>)
      %dma_wait3A_9 = tpu.memref_slice %arg3[%mul3A_2] : memref<9216xi32, #tpu.memory_space<hbm>> -> memref<288xi32, #tpu.memory_space<hbm>>
      %dma_wait3A_10 = tpu.memref_slice %arg3[%mul3A_2] : memref<9216xi32, #tpu.memory_space<hbm>> -> memref<288xi32, #tpu.memory_space<hbm>>
      tpu.wait_dma2 semaphore(%run_scoped3A : memref<!tpu.dma_semaphore, #tpu.memory_space<semaphore_mem>>) src(%dma_wait3A_10 : memref<288xi32, #tpu.memory_space<hbm>>) dst(%arg5 : memref<288xi32, #tpu.memory_space<vmem>>)
      tpu.yield
    }) : () -> ()
    "tpu.region"() ({
      %run_scoped3A = tpu.sem_alloc : memref<!tpu.dma_semaphore, #tpu.memory_space<semaphore_mem>>
      %dma_start3A_7 = arith.constant 0 : i32
      %dma_start3A_8 = tpu.memref_slice %arg2[%mul3A_2, %dma_start3A_7] : memref<9216x128xf32, #tpu.memory_space<hbm>> -> memref<288x128xf32, #tpu.memory_space<hbm>>
      %dma_start3A_9 = arith.constant 0 : i32
      %dma_start3A_10 = tpu.memref_slice %arg2[%mul3A_2, %dma_start3A_9] : memref<9216x128xf32, #tpu.memory_space<hbm>> -> memref<288x128xf32, #tpu.memory_space<hbm>>
      tpu.enqueue_dma source(%dma_start3A_10 : memref<288x128xf32, #tpu.memory_space<hbm>>) target(%arg6 : memref<288x128xf32, #tpu.memory_space<vmem>>) target_semaphore(%run_scoped3A : memref<!tpu.dma_semaphore, #tpu.memory_space<semaphore_mem>>)
      %dma_wait3A_11 = arith.constant 0 : i32
      %dma_wait3A_12 = tpu.memref_slice %arg2[%mul3A_2, %dma_wait3A_11] : memref<9216x128xf32, #tpu.memory_space<hbm>> -> memref<288x128xf32, #tpu.memory_space<hbm>>
      %dma_wait3A_13 = arith.constant 0 : i32
      %dma_wait3A_14 = tpu.memref_slice %arg2[%mul3A_2, %dma_wait3A_13] : memref<9216x128xf32, #tpu.memory_space<hbm>> -> memref<288x128xf32, #tpu.memory_space<hbm>>
      tpu.wait_dma2 semaphore(%run_scoped3A : memref<!tpu.dma_semaphore, #tpu.memory_space<semaphore_mem>>) src(%dma_wait3A_14 : memref<288x128xf32, #tpu.memory_space<hbm>>) dst(%arg6 : memref<288x128xf32, #tpu.memory_space<vmem>>)
      tpu.yield
    }) : () -> ()
    %dma_start3A = arith.constant 0 : i32
    %dma_start3A_3 = arith.constant 0 : i32
    %dma_start3A_4 = tpu.memref_slice %arg4[%dma_start3A, %dma_start3A_3] : memref<9216x128xf32, #tpu.memory_space<hbm>> -> memref<9216x128xf32, #tpu.memory_space<hbm>>
    tpu.enqueue_indirect_dma source(%arg6 : memref<288x128xf32, #tpu.memory_space<vmem>>) target(%dma_start3A_4 : memref<9216x128xf32, #tpu.memory_space<hbm>>) offsets(%arg5 : memref<288xi32, #tpu.memory_space<vmem>>) semaphore(%arg7 : memref<!tpu.dma_semaphore, #tpu.memory_space<semaphore_mem>>)
    %dma_wait3A = arith.constant 0 : i32
    %dma_wait3A_5 = arith.constant 0 : i32
    %dma_wait3A_6 = tpu.memref_slice %arg4[%dma_wait3A, %dma_wait3A_5] : memref<9216x128xf32, #tpu.memory_space<hbm>> -> memref<9216x128xf32, #tpu.memory_space<hbm>>
    tpu.wait_indirect_dma semaphore(%arg7 : memref<!tpu.dma_semaphore, #tpu.memory_space<semaphore_mem>>) src(%arg6 : memref<288x128xf32, #tpu.memory_space<vmem>>) dst(%dma_wait3A_6 : memref<9216x128xf32, #tpu.memory_space<hbm>>)
    return
  }
}

module attributes {stable_mosaic.version = 14 : i64} {
  func.func @_heads_kernel(%arg0: memref<1024x768xf32, #tpu.memory_space<vmem>>, %arg1: memref<768x256xf32, #tpu.memory_space<vmem>>, %arg2: memref<1x256xf32, #tpu.memory_space<vmem>>, %arg3: memref<256x9xf32, #tpu.memory_space<vmem>>, %arg4: memref<1x9xf32, #tpu.memory_space<vmem>>, %arg5: memref<256x36xf32, #tpu.memory_space<vmem>>, %arg6: memref<1x36xf32, #tpu.memory_space<vmem>>, %arg7: memref<1024x9xf32, #tpu.memory_space<vmem>>, %arg8: memref<1024x9xf32, #tpu.memory_space<vmem>>, %arg9: memref<1024x36xf32, #tpu.memory_space<vmem>>, %arg10: memref<1024x9xf32, #tpu.memory_space<vmem>>) attributes {dimension_semantics = [], scalar_prefetch = 0 : i64, scratch_operands = 0 : i64, tpu.core_type = #tpu.core_type<tc>} {
    %get3A = arith.constant 0 : index
    %get3A_0 = arith.constant 0 : index
    %get3A_1 = vector.load %arg0[%get3A, %get3A_0] : memref<1024x768xf32, #tpu.memory_space<vmem>>, vector<1024x768xf32>
    %get3A_2 = arith.constant 0 : index
    %get3A_3 = arith.constant 0 : index
    %get3A_4 = vector.load %arg1[%get3A_2, %get3A_3] : memref<768x256xf32, #tpu.memory_space<vmem>>, vector<768x256xf32>
    %dot_general3A = arith.constant dense<0.000000e+00> : vector<1024x256xf32>
    %dot_general3A_5 = tpu.matmul %get3A_1, %get3A_4, %dot_general3A {dimension_numbers = #tpu.dot_dimension_numbers<[1], [0], [0], [1], [0, 0, 1, 1], [], []>, transpose_lhs_hint = false} : vector<1024x768xf32>, vector<768x256xf32>, vector<1024x256xf32> -> vector<1024x256xf32>
    %get3A_6 = arith.constant 0 : index
    %get3A_7 = arith.constant 0 : index
    %get3A_8 = vector.load %arg2[%get3A_6, %get3A_7] : memref<1x256xf32, #tpu.memory_space<vmem>>, vector<1x256xf32>
    %add3A = vector.broadcast %get3A_8 : vector<1x256xf32> to vector<1024x256xf32>
    %add3A_9 = arith.addf %dot_general3A_5, %add3A : vector<1024x256xf32>
    %max3A = arith.constant 0.000000e+00 : f32
    %max3A_10 = vector.broadcast %max3A : f32 to vector<1024x256xf32>
    %max3A_11 = arith.maximumf %add3A_9, %max3A_10 : vector<1024x256xf32>
    %get3A_12 = arith.constant 0 : index
    %get3A_13 = arith.constant 0 : index
    %get3A_14 = vector.load %arg3[%get3A_12, %get3A_13] : memref<256x9xf32, #tpu.memory_space<vmem>>, vector<256x9xf32>
    %dot_general3A_15 = arith.constant dense<0.000000e+00> : vector<1024x9xf32>
    %dot_general3A_16 = tpu.matmul %max3A_11, %get3A_14, %dot_general3A_15 {dimension_numbers = #tpu.dot_dimension_numbers<[1], [0], [0], [1], [0, 0, 1, 1], [], []>, transpose_lhs_hint = false} : vector<1024x256xf32>, vector<256x9xf32>, vector<1024x9xf32> -> vector<1024x9xf32>
    %get3A_17 = arith.constant 0 : index
    %get3A_18 = arith.constant 0 : index
    %get3A_19 = vector.load %arg4[%get3A_17, %get3A_18] : memref<1x9xf32, #tpu.memory_space<vmem>>, vector<1x9xf32>
    %add3A_20 = vector.broadcast %get3A_19 : vector<1x9xf32> to vector<1024x9xf32>
    %add3A_21 = arith.addf %dot_general3A_16, %add3A_20 : vector<1024x9xf32>
    %logistic3A = arith.negf %add3A_21 : vector<1024x9xf32>
    %logistic3A_22 = math.exp %logistic3A : vector<1024x9xf32>
    %logistic3A_23 = arith.constant 1.000000e+00 : f32
    %logistic3A_24 = vector.broadcast %logistic3A_23 : f32 to vector<1024x9xf32>
    %logistic3A_25 = arith.addf %logistic3A_24, %logistic3A_22 : vector<1024x9xf32>
    %logistic3A_26 = arith.divf %logistic3A_24, %logistic3A_25 : vector<1024x9xf32>
    %get3A_27 = arith.constant 0 : index
    %get3A_28 = arith.constant 0 : index
    %get3A_29 = vector.load %arg5[%get3A_27, %get3A_28] : memref<256x36xf32, #tpu.memory_space<vmem>>, vector<256x36xf32>
    %dot_general3A_30 = arith.constant dense<0.000000e+00> : vector<1024x36xf32>
    %dot_general3A_31 = tpu.matmul %max3A_11, %get3A_29, %dot_general3A_30 {dimension_numbers = #tpu.dot_dimension_numbers<[1], [0], [0], [1], [0, 0, 1, 1], [], []>, transpose_lhs_hint = false} : vector<1024x256xf32>, vector<256x36xf32>, vector<1024x36xf32> -> vector<1024x36xf32>
    %get3A_32 = arith.constant 0 : index
    %get3A_33 = arith.constant 0 : index
    %get3A_34 = vector.load %arg6[%get3A_32, %get3A_33] : memref<1x36xf32, #tpu.memory_space<vmem>>, vector<1x36xf32>
    %add3A_35 = vector.broadcast %get3A_34 : vector<1x36xf32> to vector<1024x36xf32>
    %add3A_36 = arith.addf %dot_general3A_31, %add3A_35 : vector<1024x36xf32>
    %swap3A = arith.constant 0 : index
    %swap3A_37 = arith.constant 0 : index
    %swap3A_38 = vector.load %arg8[%swap3A, %swap3A_37] : memref<1024x9xf32, #tpu.memory_space<vmem>>, vector<1024x9xf32>
    tpu.vector_store %arg8[%swap3A, %swap3A_37], %logistic3A_26 {strides = array<i32>} : memref<1024x9xf32, #tpu.memory_space<vmem>>, vector<1024x9xf32>,
    %swap3A_39 = arith.constant 0 : index
    %swap3A_40 = arith.constant 0 : index
    %swap3A_41 = vector.load %arg9[%swap3A_39, %swap3A_40] : memref<1024x36xf32, #tpu.memory_space<vmem>>, vector<1024x36xf32>
    tpu.vector_store %arg9[%swap3A_39, %swap3A_40], %add3A_36 {strides = array<i32>} : memref<1024x36xf32, #tpu.memory_space<vmem>>, vector<1024x36xf32>,
    %get3A_42 = arith.constant 0 : index
    %get3A_43 = arith.constant 0 : index
    %get3A_44 = vector.load %arg7[%get3A_42, %get3A_43] : memref<1024x9xf32, #tpu.memory_space<vmem>>, vector<1024x9xf32>
    %gt3A = arith.constant 0.000000e+00 : f32
    %gt3A_45 = vector.broadcast %gt3A : f32 to vector<1024x9xf32>
    %gt3A_46 = arith.cmpf ogt, %get3A_44, %gt3A_45 : vector<1024x9xf32>
    %jit3A = arith.constant 0xFF800000 : f32
    %broadcast_in_dim3A = vector.broadcast %jit3A : f32 to vector<1024x9xf32>
    %select_n3A = arith.select %gt3A_46, %logistic3A_26, %broadcast_in_dim3A : vector<1024x9xi1>, vector<1024x9xf32>
    %swap3A_47 = arith.constant 0 : index
    %swap3A_48 = arith.constant 0 : index
    %swap3A_49 = vector.load %arg10[%swap3A_47, %swap3A_48] : memref<1024x9xf32, #tpu.memory_space<vmem>>, vector<1024x9xf32>
    tpu.vector_store %arg10[%swap3A_47, %swap3A_48], %select_n3A {strides = array<i32>} : memref<1024x9xf32, #tpu.memory_space<vmem>>, vector<1024x9xf32>,
    return
  }
}

module attributes {stable_mosaic.version = 14 : i64} {
  func.func @_rank_kernel(%arg0: memref<1x9216xf32, #tpu.memory_space<vmem>>, %arg1: memref<9216x1xf32, #tpu.memory_space<vmem>>, %arg2: memref<4x9216xf32, #tpu.memory_space<vmem>>, %arg3: memref<9216x1xi32, #tpu.memory_space<vmem>>, %arg4: memref<9216x128xf32, #tpu.memory_space<vmem>>, %arg5: memref<4x9216xf32, #tpu.memory_space<vmem>>, %arg6: memref<1x10240xf32, #tpu.memory_space<vmem>>, %arg7: memref<1x10240xf32, #tpu.memory_space<vmem>>) attributes {dimension_semantics = [], scalar_prefetch = 0 : i64, scratch_operands = 3 : i64, tpu.core_type = #tpu.core_type<tc>} {
    %get3A = arith.constant 0 : index
    %get3A_0 = arith.constant 0 : index
    %get3A_1 = vector.load %arg2[%get3A, %get3A_0] : memref<4x9216xf32, #tpu.memory_space<vmem>>, vector<1x9216xf32>
    %get3A_2 = arith.constant 1 : index
    %get3A_3 = arith.constant 0 : index
    %get3A_4 = vector.load %arg2[%get3A_2, %get3A_3] : memref<4x9216xf32, #tpu.memory_space<vmem>>, vector<1x9216xf32>
    %get3A_5 = arith.constant 2 : index
    %get3A_6 = arith.constant 0 : index
    %get3A_7 = vector.load %arg2[%get3A_5, %get3A_6] : memref<4x9216xf32, #tpu.memory_space<vmem>>, vector<1x9216xf32>
    %get3A_8 = arith.constant 3 : index
    %get3A_9 = arith.constant 0 : index
    %get3A_10 = vector.load %arg2[%get3A_8, %get3A_9] : memref<4x9216xf32, #tpu.memory_space<vmem>>, vector<1x9216xf32>
    %mul3A = arith.mulf %get3A_1, %get3A_7 : vector<1x9216xf32>
    %add3A = arith.addf %get3A_1, %mul3A : vector<1x9216xf32>
    %mul3A_11 = arith.mulf %get3A_4, %get3A_10 : vector<1x9216xf32>
    %add3A_12 = arith.addf %get3A_4, %mul3A_11 : vector<1x9216xf32>
    %exp3A = math.exp %get3A_7 : vector<1x9216xf32>
    %mul3A_13 = arith.mulf %get3A_7, %exp3A : vector<1x9216xf32>
    %exp3A_14 = math.exp %get3A_10 : vector<1x9216xf32>
    %mul3A_15 = arith.mulf %get3A_10, %exp3A_14 : vector<1x9216xf32>
    %mul3A_16 = arith.constant 5.000000e-01 : f32
    %mul3A_17 = vector.broadcast %mul3A_16 : f32 to vector<1x9216xf32>
    %mul3A_18 = arith.mulf %mul3A_13, %mul3A_17 : vector<1x9216xf32>
    %sub3A = arith.subf %add3A, %mul3A_18 : vector<1x9216xf32>
    %mul3A_19 = arith.constant 5.000000e-01 : f32
    %mul3A_20 = vector.broadcast %mul3A_19 : f32 to vector<1x9216xf32>
    %mul3A_21 = arith.mulf %mul3A_15, %mul3A_20 : vector<1x9216xf32>
    %sub3A_22 = arith.subf %add3A_12, %mul3A_21 : vector<1x9216xf32>
    %mul3A_23 = arith.constant 5.000000e-01 : f32
    %mul3A_24 = vector.broadcast %mul3A_23 : f32 to vector<1x9216xf32>
    %mul3A_25 = arith.mulf %mul3A_13, %mul3A_24 : vector<1x9216xf32>
    %add3A_26 = arith.addf %add3A, %mul3A_25 : vector<1x9216xf32>
    %mul3A_27 = arith.constant 5.000000e-01 : f32
    %mul3A_28 = vector.broadcast %mul3A_27 : f32 to vector<1x9216xf32>
    %mul3A_29 = arith.mulf %mul3A_15, %mul3A_28 : vector<1x9216xf32>
    %add3A_30 = arith.addf %add3A_12, %mul3A_29 : vector<1x9216xf32>
    %concatenate3A = tpu.concatenate %sub3A, %sub3A_22, %add3A_26, %add3A_30 in 0 : vector<1x9216xf32>, vector<1x9216xf32>, vector<1x9216xf32>, vector<1x9216xf32> -> vector<4x9216xf32>
    %swap3A = arith.constant 0 : index
    %swap3A_31 = arith.constant 0 : index
    %swap3A_32 = vector.load %arg5[%swap3A, %swap3A_31] : memref<4x9216xf32, #tpu.memory_space<vmem>>, vector<4x9216xf32>
    tpu.vector_store %arg5[%swap3A, %swap3A_31], %concatenate3A {strides = array<i32>} : memref<4x9216xf32, #tpu.memory_space<vmem>>, vector<4x9216xf32>,
    %iota3A = tpu.iota {dimensions = array<i32: 0>} : vector<128x1xi32>
    %broadcast_in_dim3A = arith.constant 0.000000e+00 : f32
    %broadcast_in_dim3A_33 = vector.broadcast %broadcast_in_dim3A : f32 to vector<128x124xf32>
    %get3A_34 = arith.constant 0 : index
    %get3A_35 = arith.constant 0 : index
    %get3A_36 = vector.load %arg0[%get3A_34, %get3A_35] : memref<1x9216xf32, #tpu.memory_space<vmem>>, vector<1x9216xf32>
    %swap3A_37 = arith.constant 0 : index
    %swap3A_38 = arith.constant 0 : index
    %swap3A_39 = vector.load %arg6[%swap3A_37, %swap3A_38] : memref<1x10240xf32, #tpu.memory_space<vmem>>, vector<1x9216xf32>
    tpu.vector_store %arg6[%swap3A_37, %swap3A_38], %get3A_36 {strides = array<i32>} : memref<1x10240xf32, #tpu.memory_space<vmem>>, vector<1x9216xf32>,
    %broadcast_in_dim3A_40 = arith.constant 0xFF800000 : f32
    %broadcast_in_dim3A_41 = vector.broadcast %broadcast_in_dim3A_40 : f32 to vector<1x1024xf32>
    %swap3A_42 = arith.constant 0 : index
    %swap3A_43 = arith.constant 9216 : index
    %swap3A_44 = vector.load %arg6[%swap3A_42, %swap3A_43] : memref<1x10240xf32, #tpu.memory_space<vmem>>, vector<1x1024xf32>
    tpu.vector_store %arg6[%swap3A_42, %swap3A_43], %broadcast_in_dim3A_41 {strides = array<i32>} : memref<1x10240xf32, #tpu.memory_space<vmem>>, vector<1x1024xf32>,
    %broadcast_in_dim3A_45 = arith.constant 0.000000e+00 : f32
    %broadcast_in_dim3A_46 = vector.broadcast %broadcast_in_dim3A_45 : f32 to vector<1x10240xf32>
    %swap3A_47 = arith.constant 0 : index
    %swap3A_48 = arith.constant 0 : index
    %swap3A_49 = vector.load %arg7[%swap3A_47, %swap3A_48] : memref<1x10240xf32, #tpu.memory_space<vmem>>, vector<1x10240xf32>
    tpu.vector_store %arg7[%swap3A_47, %swap3A_48], %broadcast_in_dim3A_46 {strides = array<i32>} : memref<1x10240xf32, #tpu.memory_space<vmem>>, vector<1x10240xf32>,
    %iota3A_50 = tpu.iota {dimensions = array<i32: 1>} : vector<1x9216xi32>
    %get3A_51 = arith.constant 0 : index
    %get3A_52 = arith.constant 0 : index
    %get3A_53 = vector.load %arg0[%get3A_51, %get3A_52] : memref<1x9216xf32, #tpu.memory_space<vmem>>, vector<1x9216xf32>
    %scan3A = arith.constant 0 : i32
    %scan3A_54 = arith.constant 72 : i32
    %scan3A_55 = arith.addi %scan3A, %scan3A_54 : i32
    %scan3A_56 = arith.constant 1 : i32
    scf.for %scan3A_58 = %scan3A to %scan3A_55 step %scan3A_56  : i32 {
      %mul3A_59 = arith.constant 128 : i32
      %mul3A_60 = arith.muli %scan3A_58, %mul3A_59 : i32
      %get3A_61 = arith.index_cast %mul3A_60 : i32 to index
      %get3A_62 = arith.constant 0 : index
      %get3A_63 = vector.load %arg1[%get3A_61, %get3A_62] : memref<9216x1xf32, #tpu.memory_space<vmem>>, vector<128x1xf32>
      %add3A_64 = vector.broadcast %mul3A_60 : i32 to vector<128x1xi32>
      %add3A_65 = arith.addi %iota3A, %add3A_64 : vector<128x1xi32>
      %gt3A = vector.broadcast %get3A_53 : vector<1x9216xf32> to vector<128x9216xf32>
      %gt3A_66 = vector.broadcast %get3A_63 : vector<128x1xf32> to vector<128x9216xf32>
      %gt3A_67 = arith.cmpf ogt, %gt3A, %gt3A_66 : vector<128x9216xf32>
      %convert_element_type3A = arith.extui %gt3A_67 : vector<128x9216xi1> to vector<128x9216xi32>
      %convert_element_type3A_68 = arith.sitofp %convert_element_type3A : vector<128x9216xi32> to vector<128x9216xf32>
      %eq3A = vector.broadcast %get3A_53 : vector<1x9216xf32> to vector<128x9216xf32>
      %eq3A_69 = vector.broadcast %get3A_63 : vector<128x1xf32> to vector<128x9216xf32>
      %eq3A_70 = arith.cmpf oeq, %eq3A, %eq3A_69 : vector<128x9216xf32>
      %gt3A_71 = vector.broadcast %iota3A_50 : vector<1x9216xi32> to vector<128x9216xi32>
      %gt3A_72 = vector.broadcast %add3A_65 : vector<128x1xi32> to vector<128x9216xi32>
      %gt3A_73 = arith.cmpi sgt, %gt3A_71, %gt3A_72 : vector<128x9216xi32>
      %and3A = arith.andi %eq3A_70, %gt3A_73 : vector<128x9216xi1>
      %convert_element_type3A_74 = arith.extui %and3A : vector<128x9216xi1> to vector<128x9216xi32>
      %convert_element_type3A_75 = arith.sitofp %convert_element_type3A_74 : vector<128x9216xi32> to vector<128x9216xf32>
      %add3A_76 = arith.addf %convert_element_type3A_68, %convert_element_type3A_75 : vector<128x9216xf32>
      %reduce_sum3A = arith.constant dense<0.000000e+00> : vector<128xf32>
      %reduce_sum3A_77 = vector.multi_reduction <add>, %add3A_76, %reduce_sum3A [1] : vector<128x9216xf32> to vector<128xf32>
      %broadcast_in_dim3A_78 = vector.shape_cast %reduce_sum3A_77 : vector<128xf32> to vector<128x1xf32>
      %convert_element_type3A_79 = arith.fptosi %broadcast_in_dim3A_78 : vector<128x1xf32> to vector<128x1xi32>
      %swap3A_80 = arith.index_cast %mul3A_60 : i32 to index
      %swap3A_81 = arith.constant 0 : index
      %swap3A_82 = vector.load %arg3[%swap3A_80, %swap3A_81] : memref<9216x1xi32, #tpu.memory_space<vmem>>, vector<128x1xi32>
      tpu.vector_store %arg3[%swap3A_80, %swap3A_81], %convert_element_type3A_79 {strides = array<i32>} : memref<9216x1xi32, #tpu.memory_space<vmem>>, vector<128x1xi32>,
      %get3A_83 = arith.constant 0 : index
      %get3A_84 = arith.index_cast %mul3A_60 : i32 to index
      %get3A_85 = vector.load %arg5[%get3A_83, %get3A_84] : memref<4x9216xf32, #tpu.memory_space<vmem>>, vector<4x128xf32>
      %transpose3A = tpu.transpose %get3A_85, [1, 0] : vector<4x128xf32> -> vector<128x4xf32>
      %concatenate3A_86 = tpu.concatenate %transpose3A, %broadcast_in_dim3A_33 in 1 : vector<128x4xf32>, vector<128x124xf32> -> vector<128x128xf32>
      %swap3A_87 = arith.index_cast %mul3A_60 : i32 to index
      %swap3A_88 = arith.constant 0 : index
      %swap3A_89 = vector.load %arg4[%swap3A_87, %swap3A_88] : memref<9216x128xf32, #tpu.memory_space<vmem>>, vector<128x128xf32>
      tpu.vector_store %arg4[%swap3A_87, %swap3A_88], %concatenate3A_86 {strides = array<i32>} : memref<9216x128xf32, #tpu.memory_space<vmem>>, vector<128x128xf32>,
    }
    %scan3A_57 = arith.constant 72 : i32
    return
  }
}

module attributes {stable_mosaic.version = 14 : i64} {
  func.func @_nms_kernel(%arg0: memref<9216x128xf32, #tpu.memory_space<vmem>>, %arg1: memref<4x2048xf32, #tpu.memory_space<vmem>>, %arg2: memref<4x10240xf32, #tpu.memory_space<vmem>>, %arg3: memref<1x9216xf32, #tpu.memory_space<vmem>>, %arg4: memref<1x10240xf32, #tpu.memory_space<vmem>>, %arg5: memref<9216x1xf32, #tpu.memory_space<vmem>>) attributes {dimension_semantics = [], scalar_prefetch = 0 : i64, scratch_operands = 4 : i64, tpu.core_type = #tpu.core_type<tc>} {
    %iota3A = tpu.iota {dimensions = array<i32: 0>} : vector<128x1xi32>
    %iota3A_0 = tpu.iota {dimensions = array<i32: 1>} : vector<1x128xi32>
    %lt3A = vector.broadcast %iota3A : vector<128x1xi32> to vector<128x128xi32>
    %lt3A_1 = vector.broadcast %iota3A_0 : vector<1x128xi32> to vector<128x128xi32>
    %lt3A_2 = arith.cmpi slt, %lt3A, %lt3A_1 : vector<128x128xi32>
    %convert_element_type3A = arith.extui %lt3A_2 : vector<128x128xi1> to vector<128x128xi32>
    %convert_element_type3A_3 = arith.sitofp %convert_element_type3A : vector<128x128xi32> to vector<128x128xf32>
    %scan3A = arith.constant 0 : i32
    %scan3A_4 = arith.constant 72 : i32
    %scan3A_5 = arith.addi %scan3A, %scan3A_4 : i32
    %scan3A_6 = arith.constant 1 : i32
    scf.for %scan3A_33 = %scan3A to %scan3A_5 step %scan3A_6  : i32 {
      %mul3A = arith.constant 128 : i32
      %mul3A_34 = arith.muli %scan3A_33, %mul3A : i32
      %get3A_35 = arith.index_cast %mul3A_34 : i32 to index
      %get3A_36 = arith.constant 0 : index
      %get3A_37 = vector.load %arg0[%get3A_35, %get3A_36] : memref<9216x128xf32, #tpu.memory_space<vmem>>, vector<128x128xf32>
      %transpose3A = tpu.transpose %get3A_37, [1, 0] : vector<128x128xf32> -> vector<128x128xf32>
      %slice3A = vector.extract_strided_slice %transpose3A {offsets = [0, 0], sizes = [4, 128], strides = [1, 1]} : vector<128x128xf32> to vector<4x128xf32>
      %swap3A_38 = arith.constant 0 : index
      %swap3A_39 = arith.index_cast %mul3A_34 : i32 to index
      %swap3A_40 = vector.load %arg2[%swap3A_38, %swap3A_39] : memref<4x10240xf32, #tpu.memory_space<vmem>>, vector<4x128xf32>
      tpu.vector_store %arg2[%swap3A_38, %swap3A_39], %slice3A {strides = array<i32>} : memref<4x10240xf32, #tpu.memory_space<vmem>>, vector<4x128xf32>,
    }
    %scan3A_7 = arith.constant 72 : i32
    %broadcast_in_dim3A = arith.constant 0.000000e+00 : f32
    %broadcast_in_dim3A_8 = vector.broadcast %broadcast_in_dim3A : f32 to vector<1x10240xf32>
    %swap3A = arith.constant 0 : index
    %swap3A_9 = arith.constant 0 : index
    %swap3A_10 = vector.load %arg4[%swap3A, %swap3A_9] : memref<1x10240xf32, #tpu.memory_space<vmem>>, vector<1x10240xf32>
    tpu.vector_store %arg4[%swap3A, %swap3A_9], %broadcast_in_dim3A_8 {strides = array<i32>} : memref<1x10240xf32, #tpu.memory_space<vmem>>, vector<1x10240xf32>,
    %scan3A_11 = arith.constant 0 : i32
    %scan3A_12 = arith.constant 72 : i32
    %scan3A_13 = arith.addi %scan3A_11, %scan3A_12 : i32
    %scan3A_14 = arith.constant 1 : i32
    scf.for %scan3A_33 = %scan3A_11 to %scan3A_13 step %scan3A_14  : i32 {
      %mul3A = arith.constant 128 : i32
      %mul3A_34 = arith.muli %scan3A_33, %mul3A : i32
      %get3A_35 = arith.index_cast %mul3A_34 : i32 to index
      %get3A_36 = arith.constant 0 : index
      %get3A_37 = vector.load %arg0[%get3A_35, %get3A_36] : memref<9216x128xf32, #tpu.memory_space<vmem>>, vector<128x1xf32>
      %get3A_38 = arith.index_cast %mul3A_34 : i32 to index
      %get3A_39 = arith.constant 1 : index
      %get3A_40 = vector.load %arg0[%get3A_38, %get3A_39] : memref<9216x128xf32, #tpu.memory_space<vmem>>, vector<128x1xf32>
      %get3A_41 = arith.index_cast %mul3A_34 : i32 to index
      %get3A_42 = arith.constant 2 : index
      %get3A_43 = vector.load %arg0[%get3A_41, %get3A_42] : memref<9216x128xf32, #tpu.memory_space<vmem>>, vector<128x1xf32>
      %get3A_44 = arith.index_cast %mul3A_34 : i32 to index
      %get3A_45 = arith.constant 3 : index
      %get3A_46 = vector.load %arg0[%get3A_44, %get3A_45] : memref<9216x128xf32, #tpu.memory_space<vmem>>, vector<128x1xf32>
      %sub3A = arith.subf %get3A_43, %get3A_37 : vector<128x1xf32>
      %sub3A_47 = arith.subf %get3A_46, %get3A_40 : vector<128x1xf32>
      %mul3A_48 = arith.mulf %sub3A, %sub3A_47 : vector<128x1xf32>
      %get3A_49 = arith.constant 0 : index
      %get3A_50 = arith.index_cast %mul3A_34 : i32 to index
      %get3A_51 = vector.load %arg2[%get3A_49, %get3A_50] : memref<4x10240xf32, #tpu.memory_space<vmem>>, vector<1x128xf32>
      %get3A_52 = arith.constant 1 : index
      %get3A_53 = arith.index_cast %mul3A_34 : i32 to index
      %get3A_54 = vector.load %arg2[%get3A_52, %get3A_53] : memref<4x10240xf32, #tpu.memory_space<vmem>>, vector<1x128xf32>
      %get3A_55 = arith.constant 2 : index
      %get3A_56 = arith.index_cast %mul3A_34 : i32 to index
      %get3A_57 = vector.load %arg2[%get3A_55, %get3A_56] : memref<4x10240xf32, #tpu.memory_space<vmem>>, vector<1x128xf32>
      %get3A_58 = arith.constant 3 : index
      %get3A_59 = arith.index_cast %mul3A_34 : i32 to index
      %get3A_60 = vector.load %arg2[%get3A_58, %get3A_59] : memref<4x10240xf32, #tpu.memory_space<vmem>>, vector<1x128xf32>
      %sub3A_61 = arith.subf %get3A_57, %get3A_51 : vector<1x128xf32>
      %sub3A_62 = arith.subf %get3A_60, %get3A_54 : vector<1x128xf32>
      %mul3A_63 = arith.mulf %sub3A_61, %sub3A_62 : vector<1x128xf32>
      %get3A_64 = arith.constant 0 : index
      %get3A_65 = arith.index_cast %mul3A_34 : i32 to index
      %get3A_66 = vector.load %arg4[%get3A_64, %get3A_65] : memref<1x10240xf32, #tpu.memory_space<vmem>>, vector<1x128xf32>
      %transpose3A = tpu.transpose %get3A_66, [1, 0] : vector<1x128xf32> -> vector<128x1xf32>
      %min3A = vector.broadcast %get3A_43 : vector<128x1xf32> to vector<128x128xf32>
      %min3A_67 = vector.broadcast %get3A_57 : vector<1x128xf32> to vector<128x128xf32>
      %min3A_68 = arith.minimumf %min3A, %min3A_67 : vector<128x128xf32>
      %max3A = vector.broadcast %get3A_37 : vector<128x1xf32> to vector<128x128xf32>
      %max3A_69 = vector.broadcast %get3A_51 : vector<1x128xf32> to vector<128x128xf32>
      %max3A_70 = arith.maximumf %max3A, %max3A_69 : vector<128x128xf32>
      %sub3A_71 = arith.subf %min3A_68, %max3A_70 : vector<128x128xf32>
      %min3A_72 = vector.broadcast %get3A_46 : vector<128x1xf32> to vector<128x128xf32>
      %min3A_73 = vector.broadcast %get3A_60 : vector<1x128xf32> to vector<128x128xf32>
      %min3A_74 = arith.minimumf %min3A_72, %min3A_73 : vector<128x128xf32>
      %max3A_75 = vector.broadcast %get3A_40 : vector<128x1xf32> to vector<128x128xf32>
      %max3A_76 = vector.broadcast %get3A_54 : vector<1x128xf32> to vector<128x128xf32>
      %max3A_77 = arith.maximumf %max3A_75, %max3A_76 : vector<128x128xf32>
      %sub3A_78 = arith.subf %min3A_74, %max3A_77 : vector<128x128xf32>
      %max3A_79 = arith.constant 0.000000e+00 : f32
      %max3A_80 = vector.broadcast %max3A_79 : f32 to vector<128x128xf32>
      %max3A_81 = arith.maximumf %sub3A_71, %max3A_80 : vector<128x128xf32>
      %max3A_82 = arith.constant 0.000000e+00 : f32
      %max3A_83 = vector.broadcast %max3A_82 : f32 to vector<128x128xf32>
      %max3A_84 = arith.maximumf %sub3A_78, %max3A_83 : vector<128x128xf32>
      %mul3A_85 = arith.mulf %max3A_81, %max3A_84 : vector<128x128xf32>
      %add3A = vector.broadcast %mul3A_48 : vector<128x1xf32> to vector<128x128xf32>
      %add3A_86 = vector.broadcast %mul3A_63 : vector<1x128xf32> to vector<128x128xf32>
      %add3A_87 = arith.addf %add3A, %add3A_86 : vector<128x128xf32>
      %sub3A_88 = arith.subf %add3A_87, %mul3A_85 : vector<128x128xf32>
      %add3A_89 = arith.constant 9.99999971E-10 : f32
      %add3A_90 = vector.broadcast %add3A_89 : f32 to vector<128x128xf32>
      %add3A_91 = arith.addf %sub3A_88, %add3A_90 : vector<128x128xf32>
      %mul3A_92 = arith.constant 0.699999988 : f32
      %mul3A_93 = vector.broadcast %mul3A_92 : f32 to vector<128x128xf32>
      %mul3A_94 = arith.mulf %mul3A_93, %add3A_91 : vector<128x128xf32>
      %gt3A = arith.cmpf ogt, %mul3A_85, %mul3A_94 : vector<128x128xf32>
      %convert_element_type3A_95 = arith.extui %gt3A : vector<128x128xi1> to vector<128x128xi32>
      %convert_element_type3A_96 = arith.sitofp %convert_element_type3A_95 : vector<128x128xi32> to vector<128x128xf32>
      %mul3A_97 = arith.mulf %convert_element_type3A_96, %convert_element_type3A_3 : vector<128x128xf32>
      %eq3A = arith.constant 0.000000e+00 : f32
      %eq3A_98 = vector.broadcast %eq3A : f32 to vector<128x1xf32>
      %eq3A_99 = arith.cmpf oeq, %transpose3A, %eq3A_98 : vector<128x1xf32>
      %convert_element_type3A_100 = arith.extui %eq3A_99 : vector<128x1xi1> to vector<128x1xi32>
      %convert_element_type3A_101 = arith.sitofp %convert_element_type3A_100 : vector<128x1xi32> to vector<128x1xf32>
      %transpose3A_102 = tpu.transpose %convert_element_type3A_101, [1, 0] : vector<128x1xf32> -> vector<1x128xf32>
      %while3A = arith.constant 0 : i32
      %while3A_103 = arith.constant true
      %while3A_104:3 = scf.while (%while3A_147 = %while3A, %while3A_148 = %while3A_103, %while3A_149 = %transpose3A_102) : (i32, i1, vector<1x128xf32>) -> (i32, i1, vector<1x128xf32>) {
        %lt3A_150 = arith.constant 130 : i32
        %lt3A_151 = arith.cmpi slt, %while3A_147, %lt3A_150 : i32
        %and3A_152 = arith.andi %lt3A_151, %while3A_148 : i1
        scf.condition(%and3A_152) %while3A_147, %while3A_148, %while3A_149 : i32, i1, vector<1x128xf32>
      } do {
      ^bb0(%while3A_147: i32, %while3A_148: i1, %while3A_149: vector<1x128xf32>):
        %dot_general3A = arith.constant dense<0.000000e+00> : vector<1x128xf32>
        %dot_general3A_150 = tpu.matmul %while3A_149, %mul3A_97, %dot_general3A {dimension_numbers = #tpu.dot_dimension_numbers<[1], [0], [0], [1], [0, 0, 1, 1], [], []>, transpose_lhs_hint = false} : vector<1x128xf32>, vector<128x128xf32>, vector<1x128xf32> -> vector<1x128xf32>
        %eq3A_151 = arith.constant 0.000000e+00 : f32
        %eq3A_152 = vector.broadcast %eq3A_151 : f32 to vector<1x128xf32>
        %eq3A_153 = arith.cmpf oeq, %dot_general3A_150, %eq3A_152 : vector<1x128xf32>
        %convert_element_type3A_154 = arith.extui %eq3A_153 : vector<1x128xi1> to vector<1x128xi32>
        %convert_element_type3A_155 = arith.sitofp %convert_element_type3A_154 : vector<1x128xi32> to vector<1x128xf32>
        %mul3A_156 = arith.mulf %transpose3A_102, %convert_element_type3A_155 : vector<1x128xf32>
        %add3A_157 = arith.constant 1 : i32
        %add3A_158 = arith.addi %while3A_147, %add3A_157 : i32
        %ne3A_159 = arith.cmpf one, %mul3A_156, %while3A_149 : vector<1x128xf32>
        %reduce_or3A = arith.constant 1.000000e+00 : f32
        %reduce_or3A_160 = arith.constant 0.000000e+00 : f32
        %reduce_or3A_161 = vector.broadcast %reduce_or3A : f32 to vector<1x128xf32>
        %reduce_or3A_162 = vector.broadcast %reduce_or3A_160 : f32 to vector<1x128xf32>
        %reduce_or3A_163 = arith.select %ne3A_159, %reduce_or3A_161, %reduce_or3A_162 : vector<1x128xi1>, vector<1x128xf32>
        %reduce_or3A_164 = vector.shape_cast %reduce_or3A_163 : vector<1x128xf32> to vector<1x1x128xf32>
        %reduce_or3A_165 = arith.constant dense<0xFF800000> : vector<1xf32>
        %reduce_or3A_166 = vector.multi_reduction <maximumf>, %reduce_or3A_164, %reduce_or3A_165 [1, 2] : vector<1x1x128xf32> to vector<1xf32>
        %reduce_or3A_167 = vector.shape_cast %reduce_or3A_166 : vector<1xf32> to vector<1x1x1xf32>
        %reduce_or3A_168 = vector.extract %reduce_or3A_167[0, 0, 0] : f32 from vector<1x1x1xf32>
        %reduce_or3A_169 = arith.constant 0.000000e+00 : f32
        %reduce_or3A_170 = arith.cmpf ogt, %reduce_or3A_168, %reduce_or3A_169 : f32
        scf.yield %add3A_158, %reduce_or3A_170, %mul3A_156 : i32, i1, vector<1x128xf32>
      }
      %swap3A_105 = arith.constant 0 : index
      %swap3A_106 = arith.index_cast %mul3A_34 : i32 to index
      %swap3A_107 = vector.load %arg3[%swap3A_105, %swap3A_106] : memref<1x9216xf32, #tpu.memory_space<vmem>>, vector<1x128xf32>
      tpu.vector_store %arg3[%swap3A_105, %swap3A_106], %while3A_104#2 {strides = array<i32>} : memref<1x9216xf32, #tpu.memory_space<vmem>>, vector<1x128xf32>,
      %transpose3A_108 = tpu.transpose %while3A_104#2, [1, 0] : vector<1x128xf32> -> vector<128x1xf32>
      %add3A_109 = arith.constant 9.99999971E-10 : f32
      %add3A_110 = vector.broadcast %add3A_109 : f32 to vector<128x1xf32>
      %add3A_111 = arith.addf %mul3A_48, %add3A_110 : vector<128x1xf32>
      %sub3A_112 = arith.constant 9216 : i32
      %sub3A_113 = arith.subi %sub3A_112, %mul3A_34 : i32
      %sub3A_114 = arith.constant 128 : i32
      %sub3A_115 = arith.subi %sub3A_113, %sub3A_114 : i32
      %add3A_116 = arith.constant 1024 : i32
      %add3A_117 = arith.addi %sub3A_115, %add3A_116 : i32
      %sub3A_118 = arith.constant 1 : i32
      %sub3A_119 = arith.subi %add3A_117, %sub3A_118 : i32
      %jit3A = arith.constant 1024 : i32
      %div3A = arith.divsi %sub3A_119, %jit3A : i32
      %sign3A = arith.constant 0 : i32
      %sign3A_120 = arith.cmpi sgt, %sub3A_119, %sign3A : i32
      %sign3A_121 = arith.extui %sign3A_120 : i1 to i32
      %sign3A_122 = arith.constant 0 : i32
      %sign3A_123 = arith.cmpi slt, %sub3A_119, %sign3A_122 : i32
      %sign3A_124 = arith.extui %sign3A_123 : i1 to i32
      %sign3A_125 = arith.subi %sign3A_121, %sign3A_124 : i32
      %sign3A_126 = arith.constant 0 : i32
      %sign3A_127 = arith.cmpi sgt, %jit3A, %sign3A_126 : i32
      %sign3A_128 = arith.extui %sign3A_127 : i1 to i32
      %sign3A_129 = arith.constant 0 : i32
      %sign3A_130 = arith.cmpi slt, %jit3A, %sign3A_129 : i32
      %sign3A_131 = arith.extui %sign3A_130 : i1 to i32
      %sign3A_132 = arith.subi %sign3A_128, %sign3A_131 : i32
      %ne3A = arith.cmpi ne, %sign3A_125, %sign3A_132 : i32
      %rem3A = arith.remsi %sub3A_119, %jit3A : i32
      %ne3A_133 = arith.constant 0 : i32
      %ne3A_134 = arith.cmpi ne, %rem3A, %ne3A_133 : i32
      %and3A = arith.andi %ne3A, %ne3A_134 : i1
      %sub3A_135 = arith.constant 1 : i32
      %sub3A_136 = arith.subi %div3A, %sub3A_135 : i32
      %select_n3A = arith.select %and3A, %sub3A_136, %div3A : i32
      %while3A_137 = arith.constant 0 : i32
      %while3A_138 = arith.constant 0 : i32
      %while3A_139 = arith.subi %select_n3A, %while3A_138 : i32
      %while3A_140 = arith.addi %while3A_138, %while3A_139 : i32
      %while3A_141 = arith.constant 1 : i32
      %while3A_142 = arith.divsi %while3A_139, %while3A_141 : i32
      %while3A_143 = arith.muli %while3A_142, %while3A_141 : i32
      %while3A_144 = arith.addi %while3A_138, %while3A_143 : i32
      %while3A_145 = arith.constant 1 : i32
      scf.for %while3A_147 = %while3A_138 to %while3A_144 step %while3A_145  : i32 {
        %add3A_148 = arith.constant 128 : i32
        %add3A_149 = arith.addi %mul3A_34, %add3A_148 : i32
        %mul3A_150 = arith.constant 1024 : i32
        %mul3A_151 = arith.muli %while3A_147, %mul3A_150 : i32
        %add3A_152 = arith.addi %add3A_149, %mul3A_151 : i32
        %get3A_153 = arith.constant 0 : index
        %get3A_154 = arith.index_cast %add3A_152 : i32 to index
        %get3A_155 = vector.load %arg2[%get3A_153, %get3A_154] : memref<4x10240xf32, #tpu.memory_space<vmem>>, vector<1x1024xf32>
        %get3A_156 = arith.constant 1 : index
        %get3A_157 = arith.index_cast %add3A_152 : i32 to index
        %get3A_158 = vector.load %arg2[%get3A_156, %get3A_157] : memref<4x10240xf32, #tpu.memory_space<vmem>>, vector<1x1024xf32>
        %get3A_159 = arith.constant 2 : index
        %get3A_160 = arith.index_cast %add3A_152 : i32 to index
        %get3A_161 = vector.load %arg2[%get3A_159, %get3A_160] : memref<4x10240xf32, #tpu.memory_space<vmem>>, vector<1x1024xf32>
        %get3A_162 = arith.constant 3 : index
        %get3A_163 = arith.index_cast %add3A_152 : i32 to index
        %get3A_164 = vector.load %arg2[%get3A_162, %get3A_163] : memref<4x10240xf32, #tpu.memory_space<vmem>>, vector<1x1024xf32>
        %sub3A_165 = arith.subf %get3A_161, %get3A_155 : vector<1x1024xf32>
        %sub3A_166 = arith.subf %get3A_164, %get3A_158 : vector<1x1024xf32>
        %mul3A_167 = arith.mulf %sub3A_165, %sub3A_166 : vector<1x1024xf32>
        %min3A_168 = vector.broadcast %get3A_43 : vector<128x1xf32> to vector<128x1024xf32>
        %min3A_169 = vector.broadcast %get3A_161 : vector<1x1024xf32> to vector<128x1024xf32>
        %min3A_170 = arith.minimumf %min3A_168, %min3A_169 : vector<128x1024xf32>
        %max3A_171 = vector.broadcast %get3A_37 : vector<128x1xf32> to vector<128x1024xf32>
        %max3A_172 = vector.broadcast %get3A_155 : vector<1x1024xf32> to vector<128x1024xf32>
        %max3A_173 = arith.maximumf %max3A_171, %max3A_172 : vector<128x1024xf32>
        %sub3A_174 = arith.subf %min3A_170, %max3A_173 : vector<128x1024xf32>
        %min3A_175 = vector.broadcast %get3A_46 : vector<128x1xf32> to vector<128x1024xf32>
        %min3A_176 = vector.broadcast %get3A_164 : vector<1x1024xf32> to vector<128x1024xf32>
        %min3A_177 = arith.minimumf %min3A_175, %min3A_176 : vector<128x1024xf32>
        %max3A_178 = vector.broadcast %get3A_40 : vector<128x1xf32> to vector<128x1024xf32>
        %max3A_179 = vector.broadcast %get3A_158 : vector<1x1024xf32> to vector<128x1024xf32>
        %max3A_180 = arith.maximumf %max3A_178, %max3A_179 : vector<128x1024xf32>
        %sub3A_181 = arith.subf %min3A_177, %max3A_180 : vector<128x1024xf32>
        %max3A_182 = arith.constant 0.000000e+00 : f32
        %max3A_183 = vector.broadcast %max3A_182 : f32 to vector<128x1024xf32>
        %max3A_184 = arith.maximumf %sub3A_174, %max3A_183 : vector<128x1024xf32>
        %max3A_185 = arith.constant 0.000000e+00 : f32
        %max3A_186 = vector.broadcast %max3A_185 : f32 to vector<128x1024xf32>
        %max3A_187 = arith.maximumf %sub3A_181, %max3A_186 : vector<128x1024xf32>
        %mul3A_188 = arith.mulf %max3A_184, %max3A_187 : vector<128x1024xf32>
        %add3A_189 = vector.broadcast %add3A_111 : vector<128x1xf32> to vector<128x1024xf32>
        %add3A_190 = vector.broadcast %mul3A_167 : vector<1x1024xf32> to vector<128x1024xf32>
        %add3A_191 = arith.addf %add3A_189, %add3A_190 : vector<128x1024xf32>
        %sub3A_192 = arith.subf %add3A_191, %mul3A_188 : vector<128x1024xf32>
        %mul3A_193 = arith.constant 0.699999988 : f32
        %mul3A_194 = vector.broadcast %mul3A_193 : f32 to vector<128x1024xf32>
        %mul3A_195 = arith.mulf %mul3A_194, %sub3A_192 : vector<128x1024xf32>
        %gt3A_196 = arith.cmpf ogt, %mul3A_188, %mul3A_195 : vector<128x1024xf32>
        %convert_element_type3A_197 = arith.extui %gt3A_196 : vector<128x1024xi1> to vector<128x1024xi32>
        %convert_element_type3A_198 = arith.sitofp %convert_element_type3A_197 : vector<128x1024xi32> to vector<128x1024xf32>
        %mul3A_199 = vector.broadcast %transpose3A_108 : vector<128x1xf32> to vector<128x1024xf32>
        %mul3A_200 = arith.mulf %convert_element_type3A_198, %mul3A_199 : vector<128x1024xf32>
        %reduce_sum3A = arith.constant dense<0.000000e+00> : vector<1024xf32>
        %reduce_sum3A_201 = vector.multi_reduction <add>, %mul3A_200, %reduce_sum3A [0] : vector<128x1024xf32> to vector<1024xf32>
        %broadcast_in_dim3A_202 = vector.shape_cast %reduce_sum3A_201 : vector<1024xf32> to vector<1x1024xf32>
        %gt3A_203 = arith.constant 0.000000e+00 : f32
        %gt3A_204 = vector.broadcast %gt3A_203 : f32 to vector<1x1024xf32>
        %gt3A_205 = arith.cmpf ogt, %broadcast_in_dim3A_202, %gt3A_204 : vector<1x1024xf32>
        %convert_element_type3A_206 = arith.extui %gt3A_205 : vector<1x1024xi1> to vector<1x1024xi32>
        %convert_element_type3A_207 = arith.sitofp %convert_element_type3A_206 : vector<1x1024xi32> to vector<1x1024xf32>
        %get3A_208 = arith.constant 0 : index
        %get3A_209 = arith.index_cast %add3A_152 : i32 to index
        %get3A_210 = vector.load %arg4[%get3A_208, %get3A_209] : memref<1x10240xf32, #tpu.memory_space<vmem>>, vector<1x1024xf32>
        %max3A_211 = arith.maximumf %get3A_210, %convert_element_type3A_207 : vector<1x1024xf32>
        %swap3A_212 = arith.constant 0 : index
        %swap3A_213 = arith.index_cast %add3A_152 : i32 to index
        %swap3A_214 = vector.load %arg4[%swap3A_212, %swap3A_213] : memref<1x10240xf32, #tpu.memory_space<vmem>>, vector<1x1024xf32>
        tpu.vector_store %arg4[%swap3A_212, %swap3A_213], %max3A_211 {strides = array<i32>} : memref<1x10240xf32, #tpu.memory_space<vmem>>, vector<1x1024xf32>,
      }
      %while3A_146 = arith.constant 1 : i32
      scf.for %while3A_147 = %while3A_144 to %while3A_140 step %while3A_146  : i32 {
        %add3A_148 = arith.constant 128 : i32
        %add3A_149 = arith.addi %mul3A_34, %add3A_148 : i32
        %mul3A_150 = arith.constant 1024 : i32
        %mul3A_151 = arith.muli %while3A_147, %mul3A_150 : i32
        %add3A_152 = arith.addi %add3A_149, %mul3A_151 : i32
        %get3A_153 = arith.constant 0 : index
        %get3A_154 = arith.index_cast %add3A_152 : i32 to index
        %get3A_155 = vector.load %arg2[%get3A_153, %get3A_154] : memref<4x10240xf32, #tpu.memory_space<vmem>>, vector<1x1024xf32>
        %get3A_156 = arith.constant 1 : index
        %get3A_157 = arith.index_cast %add3A_152 : i32 to index
        %get3A_158 = vector.load %arg2[%get3A_156, %get3A_157] : memref<4x10240xf32, #tpu.memory_space<vmem>>, vector<1x1024xf32>
        %get3A_159 = arith.constant 2 : index
        %get3A_160 = arith.index_cast %add3A_152 : i32 to index
        %get3A_161 = vector.load %arg2[%get3A_159, %get3A_160] : memref<4x10240xf32, #tpu.memory_space<vmem>>, vector<1x1024xf32>
        %get3A_162 = arith.constant 3 : index
        %get3A_163 = arith.index_cast %add3A_152 : i32 to index
        %get3A_164 = vector.load %arg2[%get3A_162, %get3A_163] : memref<4x10240xf32, #tpu.memory_space<vmem>>, vector<1x1024xf32>
        %sub3A_165 = arith.subf %get3A_161, %get3A_155 : vector<1x1024xf32>
        %sub3A_166 = arith.subf %get3A_164, %get3A_158 : vector<1x1024xf32>
        %mul3A_167 = arith.mulf %sub3A_165, %sub3A_166 : vector<1x1024xf32>
        %min3A_168 = vector.broadcast %get3A_43 : vector<128x1xf32> to vector<128x1024xf32>
        %min3A_169 = vector.broadcast %get3A_161 : vector<1x1024xf32> to vector<128x1024xf32>
        %min3A_170 = arith.minimumf %min3A_168, %min3A_169 : vector<128x1024xf32>
        %max3A_171 = vector.broadcast %get3A_37 : vector<128x1xf32> to vector<128x1024xf32>
        %max3A_172 = vector.broadcast %get3A_155 : vector<1x1024xf32> to vector<128x1024xf32>
        %max3A_173 = arith.maximumf %max3A_171, %max3A_172 : vector<128x1024xf32>
        %sub3A_174 = arith.subf %min3A_170, %max3A_173 : vector<128x1024xf32>
        %min3A_175 = vector.broadcast %get3A_46 : vector<128x1xf32> to vector<128x1024xf32>
        %min3A_176 = vector.broadcast %get3A_164 : vector<1x1024xf32> to vector<128x1024xf32>
        %min3A_177 = arith.minimumf %min3A_175, %min3A_176 : vector<128x1024xf32>
        %max3A_178 = vector.broadcast %get3A_40 : vector<128x1xf32> to vector<128x1024xf32>
        %max3A_179 = vector.broadcast %get3A_158 : vector<1x1024xf32> to vector<128x1024xf32>
        %max3A_180 = arith.maximumf %max3A_178, %max3A_179 : vector<128x1024xf32>
        %sub3A_181 = arith.subf %min3A_177, %max3A_180 : vector<128x1024xf32>
        %max3A_182 = arith.constant 0.000000e+00 : f32
        %max3A_183 = vector.broadcast %max3A_182 : f32 to vector<128x1024xf32>
        %max3A_184 = arith.maximumf %sub3A_174, %max3A_183 : vector<128x1024xf32>
        %max3A_185 = arith.constant 0.000000e+00 : f32
        %max3A_186 = vector.broadcast %max3A_185 : f32 to vector<128x1024xf32>
        %max3A_187 = arith.maximumf %sub3A_181, %max3A_186 : vector<128x1024xf32>
        %mul3A_188 = arith.mulf %max3A_184, %max3A_187 : vector<128x1024xf32>
        %add3A_189 = vector.broadcast %add3A_111 : vector<128x1xf32> to vector<128x1024xf32>
        %add3A_190 = vector.broadcast %mul3A_167 : vector<1x1024xf32> to vector<128x1024xf32>
        %add3A_191 = arith.addf %add3A_189, %add3A_190 : vector<128x1024xf32>
        %sub3A_192 = arith.subf %add3A_191, %mul3A_188 : vector<128x1024xf32>
        %mul3A_193 = arith.constant 0.699999988 : f32
        %mul3A_194 = vector.broadcast %mul3A_193 : f32 to vector<128x1024xf32>
        %mul3A_195 = arith.mulf %mul3A_194, %sub3A_192 : vector<128x1024xf32>
        %gt3A_196 = arith.cmpf ogt, %mul3A_188, %mul3A_195 : vector<128x1024xf32>
        %convert_element_type3A_197 = arith.extui %gt3A_196 : vector<128x1024xi1> to vector<128x1024xi32>
        %convert_element_type3A_198 = arith.sitofp %convert_element_type3A_197 : vector<128x1024xi32> to vector<128x1024xf32>
        %mul3A_199 = vector.broadcast %transpose3A_108 : vector<128x1xf32> to vector<128x1024xf32>
        %mul3A_200 = arith.mulf %convert_element_type3A_198, %mul3A_199 : vector<128x1024xf32>
        %reduce_sum3A = arith.constant dense<0.000000e+00> : vector<1024xf32>
        %reduce_sum3A_201 = vector.multi_reduction <add>, %mul3A_200, %reduce_sum3A [0] : vector<128x1024xf32> to vector<1024xf32>
        %broadcast_in_dim3A_202 = vector.shape_cast %reduce_sum3A_201 : vector<1024xf32> to vector<1x1024xf32>
        %gt3A_203 = arith.constant 0.000000e+00 : f32
        %gt3A_204 = vector.broadcast %gt3A_203 : f32 to vector<1x1024xf32>
        %gt3A_205 = arith.cmpf ogt, %broadcast_in_dim3A_202, %gt3A_204 : vector<1x1024xf32>
        %convert_element_type3A_206 = arith.extui %gt3A_205 : vector<1x1024xi1> to vector<1x1024xi32>
        %convert_element_type3A_207 = arith.sitofp %convert_element_type3A_206 : vector<1x1024xi32> to vector<1x1024xf32>
        %get3A_208 = arith.constant 0 : index
        %get3A_209 = arith.index_cast %add3A_152 : i32 to index
        %get3A_210 = vector.load %arg4[%get3A_208, %get3A_209] : memref<1x10240xf32, #tpu.memory_space<vmem>>, vector<1x1024xf32>
        %max3A_211 = arith.maximumf %get3A_210, %convert_element_type3A_207 : vector<1x1024xf32>
        %swap3A_212 = arith.constant 0 : index
        %swap3A_213 = arith.index_cast %add3A_152 : i32 to index
        %swap3A_214 = vector.load %arg4[%swap3A_212, %swap3A_213] : memref<1x10240xf32, #tpu.memory_space<vmem>>, vector<1x1024xf32>
        tpu.vector_store %arg4[%swap3A_212, %swap3A_213], %max3A_211 {strides = array<i32>} : memref<1x10240xf32, #tpu.memory_space<vmem>>, vector<1x1024xf32>,
      }
    }
    %scan3A_15 = arith.constant 72 : i32
    %scan3A_16 = arith.constant 0.000000e+00 : f32
    %scan3A_17 = arith.constant 0 : i32
    %scan3A_18 = arith.constant 72 : i32
    %scan3A_19 = arith.addi %scan3A_17, %scan3A_18 : i32
    %scan3A_20 = arith.constant 1 : i32
    %scan3A_21 = scf.for %scan3A_33 = %scan3A_17 to %scan3A_19 step %scan3A_20 iter_args(%scan3A_34 = %scan3A_16) -> (f32)  : i32 {
      %mul3A = arith.constant 128 : i32
      %mul3A_35 = arith.muli %scan3A_33, %mul3A : i32
      %get3A_36 = arith.constant 0 : index
      %get3A_37 = arith.index_cast %mul3A_35 : i32 to index
      %get3A_38 = vector.load %arg3[%get3A_36, %get3A_37] : memref<1x9216xf32, #tpu.memory_space<vmem>>, vector<1x128xf32>
      %dot_general3A = arith.constant dense<0.000000e+00> : vector<1x128xf32>
      %dot_general3A_39 = tpu.matmul %get3A_38, %convert_element_type3A_3, %dot_general3A {dimension_numbers = #tpu.dot_dimension_numbers<[1], [0], [0], [1], [0, 0, 1, 1], [], []>, transpose_lhs_hint = false} : vector<1x128xf32>, vector<128x128xf32>, vector<1x128xf32> -> vector<1x128xf32>
      %gt3A = arith.constant 0.000000e+00 : f32
      %gt3A_40 = vector.broadcast %gt3A : f32 to vector<1x128xf32>
      %gt3A_41 = arith.cmpf ogt, %get3A_38, %gt3A_40 : vector<1x128xf32>
      %add3A = vector.broadcast %scan3A_34 : f32 to vector<1x128xf32>
      %add3A_42 = arith.addf %dot_general3A_39, %add3A : vector<1x128xf32>
      %jit3A = arith.constant -1.000000e+00 : f32
      %broadcast_in_dim3A_43 = vector.broadcast %jit3A : f32 to vector<1x128xf32>
      %select_n3A = arith.select %gt3A_41, %add3A_42, %broadcast_in_dim3A_43 : vector<1x128xi1>, vector<1x128xf32>
      %transpose3A = tpu.transpose %select_n3A, [1, 0] : vector<1x128xf32> -> vector<128x1xf32>
      %mul3A_44 = arith.constant 128 : i32
      %mul3A_45 = arith.muli %scan3A_33, %mul3A_44 : i32
      %swap3A_46 = arith.index_cast %mul3A_45 : i32 to index
      %swap3A_47 = arith.constant 0 : index
      %swap3A_48 = vector.load %arg5[%swap3A_46, %swap3A_47] : memref<9216x1xf32, #tpu.memory_space<vmem>>, vector<128x1xf32>
      tpu.vector_store %arg5[%swap3A_46, %swap3A_47], %transpose3A {strides = array<i32>} : memref<9216x1xf32, #tpu.memory_space<vmem>>, vector<128x1xf32>,
      %reduce_sum3A = vector.shape_cast %get3A_38 : vector<1x128xf32> to vector<1x1x128xf32>
      %reduce_sum3A_49 = arith.constant dense<0.000000e+00> : vector<1xf32>
      %reduce_sum3A_50 = vector.multi_reduction <add>, %reduce_sum3A, %reduce_sum3A_49 [1, 2] : vector<1x1x128xf32> to vector<1xf32>
      %reduce_sum3A_51 = vector.shape_cast %reduce_sum3A_50 : vector<1xf32> to vector<1x1x1xf32>
      %reduce_sum3A_52 = vector.extract %reduce_sum3A_51[0, 0, 0] : f32 from vector<1x1x1xf32>
      %add3A_53 = arith.addf %scan3A_34, %reduce_sum3A_52 : f32
      scf.yield %add3A_53 : f32
    }
    %scan3A_22 = arith.constant 72 : i32
    %get3A = arith.constant 0 : index
    %get3A_23 = arith.constant 0 : index
    %get3A_24 = vector.load %arg5[%get3A, %get3A_23] : memref<9216x1xf32, #tpu.memory_space<vmem>>, vector<9216x1xf32>
    %get3A_25 = arith.constant 0 : index
    %get3A_26 = arith.constant 0 : index
    %get3A_27 = vector.load %arg2[%get3A_25, %get3A_26] : memref<4x10240xf32, #tpu.memory_space<vmem>>, vector<4x1xf32>
    %scan3A_28 = arith.constant 0 : i32
    %scan3A_29 = arith.constant 16 : i32
    %scan3A_30 = arith.addi %scan3A_28, %scan3A_29 : i32
    %scan3A_31 = arith.constant 1 : i32
    scf.for %scan3A_33 = %scan3A_28 to %scan3A_30 step %scan3A_31  : i32 {
      %mul3A = arith.constant 128 : i32
      %mul3A_34 = arith.muli %scan3A_33, %mul3A : i32
      %add3A = vector.broadcast %mul3A_34 : i32 to vector<1x128xi32>
      %add3A_35 = arith.addi %iota3A_0, %add3A : vector<1x128xi32>
      %convert_element_type3A_36 = arith.sitofp %add3A_35 : vector<1x128xi32> to vector<1x128xf32>
      %eq3A = vector.broadcast %get3A_24 : vector<9216x1xf32> to vector<9216x128xf32>
      %eq3A_37 = vector.broadcast %convert_element_type3A_36 : vector<1x128xf32> to vector<9216x128xf32>
      %eq3A_38 = arith.cmpf oeq, %eq3A, %eq3A_37 : vector<9216x128xf32>
      %convert_element_type3A_39 = arith.extui %eq3A_38 : vector<9216x128xi1> to vector<9216x128xi32>
      %convert_element_type3A_40 = arith.sitofp %convert_element_type3A_39 : vector<9216x128xi32> to vector<9216x128xf32>
      %get3A_41 = arith.constant 0 : index
      %get3A_42 = arith.constant 0 : index
      %get3A_43 = vector.load %arg2[%get3A_41, %get3A_42] : memref<4x10240xf32, #tpu.memory_space<vmem>>, vector<4x9216xf32>
      %dot_general3A = arith.constant dense<0.000000e+00> : vector<4x128xf32>
      %dot_general3A_44 = tpu.matmul %get3A_43, %convert_element_type3A_40, %dot_general3A {dimension_numbers = #tpu.dot_dimension_numbers<[1], [0], [0], [1], [0, 0, 1, 1], [], []>, precision = #tpu.contract_precision<fp32>, transpose_lhs_hint = false} : vector<4x9216xf32>, vector<9216x128xf32>, vector<4x128xf32> -> vector<4x128xf32>
      %ge3A = vector.broadcast %scan3A_21 : f32 to vector<1x128xf32>
      %ge3A_45 = arith.cmpf oge, %convert_element_type3A_36, %ge3A : vector<1x128xf32>
      %convert_element_type3A_46 = arith.extui %ge3A_45 : vector<1x128xi1> to vector<1x128xi32>
      %convert_element_type3A_47 = arith.sitofp %convert_element_type3A_46 : vector<1x128xi32> to vector<1x128xf32>
      %mul3A_48 = vector.broadcast %convert_element_type3A_47 : vector<1x128xf32> to vector<4x128xf32>
      %mul3A_49 = vector.broadcast %get3A_27 : vector<4x1xf32> to vector<4x128xf32>
      %mul3A_50 = arith.mulf %mul3A_48, %mul3A_49 : vector<4x128xf32>
      %add3A_51 = arith.addf %dot_general3A_44, %mul3A_50 : vector<4x128xf32>
      %mul3A_52 = arith.constant 128 : i32
      %mul3A_53 = arith.muli %scan3A_33, %mul3A_52 : i32
      %swap3A_54 = arith.constant 0 : index
      %swap3A_55 = arith.index_cast %mul3A_53 : i32 to index
      %swap3A_56 = vector.load %arg1[%swap3A_54, %swap3A_55] : memref<4x2048xf32, #tpu.memory_space<vmem>>, vector<4x128xf32>
      tpu.vector_store %arg1[%swap3A_54, %swap3A_55], %add3A_51 {strides = array<i32>} : memref<4x2048xf32, #tpu.memory_space<vmem>>, vector<4x128xf32>,
    }
    %scan3A_32 = arith.constant 16 : i32
    return
  }
}

</mosaic_0001>

<sc_bundles>
// kernel: _run.6.cloned.1.call-start
scs
__scs_entry_jumppad:
0x0: {  	(pc) =	sbr.rel $0x88, $3  }
0x1: {  	(tag) =	ssettag $0x0;
	lr =	simm.s32 $0x1  }
0x2: {  	[smem:$0x3F98] =	sst lr;
	_ =	strace $0xD0000000  }
0x3: {  	_ = 	snop  }
0x4: {  	_ = 	snop  }
0x5: {  	_ = 	snop  }
0x6: {  	_ = 	snop  }
0x7: {  	_ = 	snop  }
__scs_overlays_trampoline_lowered:
0x8: {  	[smem:$0x3FA7] =	sst s0  }
0x9: {  	[smem:$0x3FA8] =	sst s1  }
0xa: {  	[smem:$0x3FA9] =	sst s2  }
0xb: {  	[smem:$0x3FAA] =	sst s3  }
0xc: {  	[smem:$0x3FAB] =	sst s4  }
0xd: {  	[smem:$0x3FAC] =	sst s5  }
0xe: {  	[smem:$0x3FAD] =	sst s6  }
0xf: {  	[smem:$0x3FAE] =	sst s7  }
0x10: {  	[smem:$0x3FAF] =	sst s8  }
0x11: {  	[smem:$0x3FB0] =	sst s9;
	s0 =	simm.s32 @!p0 $0x0  }
0x12: {  	s1 =	sld [smem:$0x3F96];
	s0 =	simm.s32 @p0 $0x1  }
0x13: {  	[smem:$0x3FB1] =	sst s0;
	s0 =	simm.s32 @!p1 $0x0  }
0x14: {  	s2 =	sld [smem:$0x3F95];
	s0 =	simm.s32 @p1 $0x1  }
0x15: {  	[smem:$0x3FB2] =	sst s0;
	s0 =	simm.s32 @!p2 $0x0  }
0x16: {  	s3 =	sld [smem:$0x3FDB];
	s0 =	simm.s32 @p2 $0x1  }
0x17: {  	s4 =	simm.s32 $0x1BF5;
	[smem:$0x3FB4] =	sst s0  }
0x18: {  	s0 =	sld [smem:$0x3F97];
	_ =	swait.ge [sflag:s4], $0x0  }
0x19: {  	s7 =	sld [smem:$0x3F98]  }
0x1a: {  	s8 =	sadd.s32 $0xFFFFE003, lr  }
0x1b: {  	s9 =	sadd.s32 $0xFFFFFEF7, lr;
	s5 =	simm.s32 $0xFFFFFFFF;
	p2 =	slt.u32 s8, $0xFFFFF086  }
0x1c: {  	p1 =	slt.u32 s9, $0xF7A;
	s5 =	simm.s32 @!p2 $0x0  }
0x1d: {  	s5 =	simm.s32 @p1 $0x1;
	p0 =	seq.s32 s7, s2  }
0x1e: {  	s7 =	smul.u32 @!p0 $0xF7A, s2;
	p2 =	seq.s32 @!p0 s5, $0x0  }
0x1f: {  	s9 =	smul.u32 $0xF7A, s1;
	s8 =	simm.s32 @!p0 $0x1BF5;
	p2 =	por !p2, p0  }
0x20: {  	[sflag:s8] =	ssyncset.s32 @!p0 $0xFFFFF086;
	s6 =	sadd.s32 @!p0 s3, s7;
	s7 =	simm.s32 @!p0 $0x108  }
0x21: {  	s3 =	sadd.s32 s3, s9;
	s6 =	sadd.s32 @!p0 $0x88, s6;
	s7 =	simm.s32 @p2 $0x1082  }
0x22: {  	[simem:s7], [sflag:s8] =	dma.local @!p0 [hbm:s6], $0xF7A  }
0x23: {  	s9 =	sor.u32 $0xD0000000, s2;
	s6 =	simm.s32 $0x108;
	_ =	swait.ge @!p0 [sflag:s8], $0x0  }
0x24: {  	s3 =	sadd.s32 $0x88, s3;
	s6 =	simm.s32 @!p1 $0x1082;
	[sflag:s4] =	ssyncset.s32 $0xFFFFF086  }
0x25: {  	[simem:s6], [sflag:s4] =	dma.local [hbm:s3], $0xF7A  }
0x26: {  	[smem:$0x3F98] =	sst s1;
	(tag) =	ssettag s2;
	_ =	strace s9  }
0x27: {  	s1 =	sld [smem:$0x3FA8]  }
0x28: {  	s2 =	sld [smem:$0x3FA9]  }
0x29: {  	s4 =	sld [smem:$0x3FAB]  }
0x2a: {  	p0 =	seq.s32 s5, $0x0;
	s5 =	sld [smem:$0x3FAC]  }
0x2b: {  	s6 =	sld [smem:$0x3FAD]  }
0x2c: {  	s7 =	sld [smem:$0x3FAE]  }
0x2d: {  	s3 =	simm.s32 $0x108;
	s8 =	sld [smem:$0x3FAF]  }
0x2e: {  	s3 =	simm.s32 @!p0 $0x1082;
	s9 =	sld [smem:$0x3FB0]  }
0x2f: {  	lr =	sadd.s32 s0, s3;
	s0 =	sld [smem:$0x3FA7]  }
0x30: {  	s3 =	sld [smem:$0x3FAA]  }
0x31: {  	[smem:$0x3FB3] =	sst s10  }
0x32: {  	s10 =	sld [smem:$0x3FB1];
	_ =	sdelay $0x3  }
0x33: {  	p0 =	seq.s32 s10, $0x1;
	s10 =	sld [smem:$0x3FB3];
	_ =	sdelay $0x3  }
0x34: {  	[smem:$0x3FB3] =	sst s10  }
0x35: {  	s10 =	sld [smem:$0x3FB2];
	_ =	sdelay $0x3  }
0x36: {  	p1 =	seq.s32 s10, $0x1;
	s10 =	sld [smem:$0x3FB3];
	_ =	sdelay $0x3  }
0x37: {  	[smem:$0x3FB3] =	sst s10  }
0x38: {  	s10 =	sld [smem:$0x3FB4]  }
0x39: {  	_ = 	snop;
	(pc) =	sbr.ind lr, $3  }
0x3a: {  	_ = 	snop  }
0x3b: {  	_ = 	snop  }
0x3c: {  	p2 =	seq.s32 s10, $0x1;
	s10 =	sld [smem:$0x3FB3]  }
0x3d: {  	_ =	shalt  }
0x3e: {  	_ =	shalt  }
0x3f: {  	_ =	shalt  }
0x40: {  	_ =	shalt  }
0x41: {  	_ =	shalt  }
0x42: {  	_ =	shalt  }
0x43: {  	_ =	shalt  }
0x44: {  	_ =	shalt  }
0x45: {  	_ =	shalt  }
0x46: {  	_ =	shalt  }
0x47: {  	_ =	shalt  }
0x48: {  	_ =	shalt  }
0x49: {  	_ =	shalt  }
0x4a: {  	_ =	shalt  }
0x4b: {  	_ =	shalt  }
0x4c: {  	_ =	shalt  }
0x4d: {  	_ =	shalt  }
0x4e: {  	_ =	shalt  }
0x4f: {  	_ =	shalt  }
0x50: {  	_ =	shalt  }
0x51: {  	_ =	shalt  }
0x52: {  	_ =	shalt  }
0x53: {  	_ =	shalt  }
0x54: {  	_ =	shalt  }
0x55: {  	_ =	shalt  }
0x56: {  	_ =	shalt  }
0x57: {  	_ =	shalt  }
0x58: {  	_ =	shalt  }
0x59: {  	_ =	shalt  }
0x5a: {  	_ =	shalt  }
0x5b: {  	_ =	shalt  }
0x5c: {  	_ =	shalt  }
0x5d: {  	_ =	shalt  }
0x5e: {  	_ =	shalt  }
0x5f: {  	_ =	shalt  }
0x60: {  	_ =	shalt  }
0x61: {  	_ =	shalt  }
0x62: {  	_ =	shalt  }
0x63: {  	_ =	shalt  }
0x64: {  	_ =	shalt  }
0x65: {  	_ =	shalt  }
0x66: {  	_ =	shalt  }
0x67: {  	_ =	shalt  }
0x68: {  	_ =	shalt  }
0x69: {  	_ =	shalt  }
0x6a: {  	_ =	shalt  }
0x6b: {  	_ =	shalt  }
0x6c: {  	_ =	shalt  }
0x6d: {  	_ =	shalt  }
0x6e: {  	_ =	shalt  }
0x6f: {  	_ =	shalt  }
0x70: {  	_ =	shalt  }
0x71: {  	_ =	shalt  }
0x72: {  	_ =	shalt  }
0x73: {  	_ =	shalt  }
0x74: {  	_ =	shalt  }
0x75: {  	_ =	shalt  }
0x76: {  	_ =	shalt  }
0x77: {  	_ =	shalt  }
0x78: {  	_ =	shalt  }
0x79: {  	_ =	shalt  }
0x7a: {  	_ =	shalt  }
0x7b: {  	_ =	shalt  }
0x7c: {  	_ =	shalt  }
0x7d: {  	_ =	shalt  }
0x7e: {  	_ =	shalt  }
0x7f: {  	_ =	shalt  }
0x80: {  	_ =	shalt  }
0x81: {  	_ =	shalt  }
0x82: {  	_ =	shalt  }
0x83: {  	_ =	shalt  }
0x84: {  	_ =	shalt  }
0x85: {  	_ =	shalt  }
0x86: {  	_ =	shalt  }
0x87: {  	_ =	shalt  }
.Lfunc_end0:
.L_simem_size_0:
called_computation_lowered:
.L_overlay_start_0:
0x88: {  	s2 =	sld [smem:$0x3FD9]  }
0x89: {  	s3 =	sld [smem:$0x3FFE];
	_ =	sdelay $0x1  }
0x8a: {  	s1 =	srdreg.scid  }
0x8b: {  	s0 =	sand.u32 $0x1, s1  }
0x8c: {  	s16 =	sshll.u32 s0, $0xA;
	s2 =	sadd.s32 s3, s2  }
0x8d: {  	s2 =	sadd.s32 s2, s16  }
0x8e: {  	[smem:$0x3FBF] =	sst s2  }
0x8f: {  	_ = 	snop  }
0x90: {  	(tm) =	ssettm $0x1  }
0x91: {  	s17 =	sld [smem:$0x3FFB];
	_ =	sdelay $0x3  }
0x92: {  	_ =	strace s17  }
0x93: {  	s2 =	sld [smem:$0x3FFC];
	_ =	sdelay $0x3  }
0x94: {  	_ =	strace s2  }
0x95: {  	s2 =	sld [smem:$0x3FFD];
	_ =	sdelay $0x3  }
0x96: {  	_ =	strace s2  }
0x97: {  	_ =	strace $0x8FFFFFFF  }
0x98: {  	s18 =	sld [smem:$0x3FDB];
	_ =	sdelay $0x1  }
0x99: {  	s19 =	simm.s32 $_scs_section_size  }
0x9a: {  	s4 =	simm.s32 $_size__tile_overlayer_lowered;
	s5 =	simm.s32 $_tile_overlayer_lowered  }
0x9b: {  	s22 =	simm.s32 $0x1BFF;
	s21 =	sshll.u32 s5, $0x1;
	s2 =	sadd.s32 s19, s18  }
0x9c: {  	s6 =	simm.s32 $0x0;
	s20 =	sshll.u32 s4, $0x1;
	s4 =	sadd.s32 s21, s2  }
0x9d: {  	[timem:s6], [sflag:s22] =	dma.local [hbm:s4], s20  }
0x9e: {  	_ =	swait.ge [sflag:s22], s20  }
0x9f: {  	s3 =	ssub.s32 $0x0, s20;
	[sflag:s22] =	ssyncset.done $0x0  }
0xa0: {  	[sflag:s22] =	ssyncadd.s32 s3;
	_ =	sdelay $0x1  }
0xa1: {  	s23 =	simm.s32 $0x1B8B  }
0xa2: {  	_ =	swait.ge [sflag:s23], $0x1  }
0xa3: {  	[sflag:s23] =	ssyncset.done $0x0  }
0xa4: {  	s25 =	simm.s32 $0x1B8E;
	s24 =	sld [smem:$0x3FFE];
	[sflag:s23] =	ssyncadd.s32 $0xFFFFFFFF  }
0xa5: {  	s26 =	simm.s32 $execute0_lowered;
	[smem:$0x3FD2] =	sst s25  }
0xa6: {  	s4 =	sshll.u32 s26, $0x1;
	_ =	strace $0x80000046;
	[dreg:$0x1] =	wrdreg $0xFFFFFFFF  }
0xa7: {  	s28 =	simm.s32 $_size_execute0_lowered;
	s2 =	sadd.s32 s2, s4;
	[dreg:$0x0] =	wrdreg $0x0  }
0xa8: {  	s4 =	sshll.u32 s28, $0x1;
	[dreg:$0x2] =	wrdreg s2  }
0xa9: {  	[dreg:$0x3] =	wrdreg s4  }
0xaa: {  	[dreg:$0x4] =	wrdreg $0xC0  }
0xab: {  	_ =	task [dreg:s6], $0x5FFFF  }
0xac: {  	[dreg:$0x1] =	wrdreg $0xFFFFFFFF  }
0xad: {  	[dreg:$0x0] =	wrdreg $0x60  }
0xae: {  	[dreg:$0x2] =	wrdreg s24  }
0xaf: {  	[dreg:$0x3] =	wrdreg $0x9  }
0xb0: {  	_ =	task.clear_ibuf [dreg:s6], $0x4FFFF;
	_ =	strace $0x90000046  }
0xb1: {  	s29 =	simm.s32 $0x9;
	_ =	strace $0x80000048  }
0xb2: {  	_ =	swait.ge [sflag:s29], $0x1  }
0xb3: {  	[sflag:s29] =	ssyncadd.s32 $0xFFFFFFFF  }
0xb4: {  	_ =	strace $0x90000048  }
0xb5: {  	_ =	sfence  }
0xb6: {  	s30 =	sld [smem:$0x0];
	_ =	sdelay $0x2  }
0xb7: {  	s31 =	sshll.u32 s1, $0xD;
	s1 =	sshrl.u32 s1, $0x2  }
0xb8: {  	s3 =	sand.u32 $0x4000, s31;
	s1 =	sadd.s32 s1, s30  }
0xb9: {  	s0 =	sor.u32 s3, s0;
	s1 =	sshll.u32 s1, $0x11  }
0xba: {  	s0 =	sor.u32 s1, s0  }
0xbb: {  	s0 =	sadd.s32 $0x8F2B, s0  }
0xbc: {  	[sflag:s0] =	ssyncadd.remote.s32 $0x1  }
0xbd: {  	_ =	sfence.sel $0xFFFF  }
0xbe: {  	[dreg:$0x0] =	wrdreg $0xFFFFFFFF;
	(pc) =	sbr.abs _section_cstart, $3  }
0xbf: {  	[dreg:$0x1] =	wrdreg $0xFFFFFFFF  }
0xc0: {  	_ =	task.clear_ibuf [dreg:s6], $0x2FFFF;
	_ =	strace $0x9FFFFFFF  }
0xc1: {  	(tm) =	ssettm $0x7FFFFFFF  }
tec
execute0_lowered:
.L_overlay_start_1:
0x0: {  	(tag) =	ssettag $0x1  }
0x1: {  	s1 =	srdreg.scid;
	s0 =	stileid.u32  }
0x2: {  	s5 =	sand.u32 $0x1, s1;
	s30 =	sshll.u32 s0, $0x1  }
0x3: {  	s7 =	rddreg [dreg:$0x0];
	s2 =	simm.s32 $0x0;
	s3 =	sor.u32 s5, s30  }
0x4: {  	[smem:$0x7FF] =	sst s2;
	s4 =	smul.u32 $0x24, s3  }
0x5: {  	s1 =	rddreg [dreg:$0x1];
	_ =	strace $0x80000047  }
0x6: {  	s8 =	ssub.s32 $0x2, s5;
	s6 =	smul.u32 $0x1200, s3;
	s4 =	sadd.s32 s4, s7  }
0x7: {  	s9 =	sshrl.u32 s8, $0x1;
	s3 =	sadd.s32 $0x25400, s4;
	s4 =	simm.s32 $0x2  }
0x8: {  	[tilespmem:s2], [sflag:$0x2] =	stream.linear.gather [hbm4b:s3+s2], $0x120, $0x38;
	[tilespmem:$0x9180] =	vst v63  }
0x9: {  	s8 =	ssub.s32 s8, s9;
	_ =	swait.ge [sflag:s4], $0x120  }
0xa: {  	s31 =	sadd.s32 s6, s7;
	s6 =	simm.s32 $0x180;
	[sflag:s4] =	ssyncset.done $0x0  }
0xb: {  	s10 =	smax.u32 s8, $0x1;
	s5 =	sadd.s32 $0x1400, s31;
	[sflag:s4] =	ssyncadd.s32 $0xFFFFFEE0  }
0xc: {  	[tilespmem:s6], [sflag:$0x2] =	stream.linear.gather [hbm4b:s5+s2], $0x9000, $0x38;
	[tilespmem:$0x9180] =	vst v63  }
0xd: {  	p0 =	sne.s32 s10, $0x1;
	_ =	swait.ge [sflag:s4], $0x9000  }
.Ltmp0:
0xe: {  	s9 =	simm.s32 $0x120;
	[sflag:s4] =	ssyncset.done $0x0;
	(pc) =	sbr.rel @!p0 .LBB2_2-.Ltmp0, $4  }
0xf: {  	s7 =	sadd.s32 $0x25A00, s7;
	s8 =	simm.s32 $0x1;
	[sflag:s4] =	ssyncadd.s32 $0xFFFF7000  }
0x10: {  	[hbm4b:s7+s9] =	stream.indirect.scatter [tilespmem:s6], [sflag:$0x1], $0x80, s2, s9, $0xb8;
	[tilespmem:$0x9180] =	vst v63  }
0x11: {  	_ =	swait.ge [sflag:s8], $0x9000  }
0x12: {  	s10 =	sadd.s32 $0xFFFFFFFF, s10;
	[sflag:s8] =	ssyncset.done $0x0  }
.LBB2_1:
0x13: {  	p0 =	sne.s32 s10, $0x1;
	s10 =	sadd.s32 $0xFFFFFFFF, s10;
	[sflag:s8] =	ssyncadd.s32 $0xFFFF7000  }
0x14: {  	[tilespmem:s2], [sflag:$0x2] =	stream.linear.gather [hbm4b:s3+s2], $0x120, $0x38;
	[tilespmem:$0x9180] =	vst v63  }
0x15: {  	_ =	swait.ge [sflag:s4], $0x120  }
0x16: {  	[sflag:s4] =	ssyncset.done $0x0  }
0x17: {  	[sflag:s4] =	ssyncadd.s32 $0xFFFFFEE0  }
0x18: {  	[tilespmem:s6], [sflag:$0x2] =	stream.linear.gather [hbm4b:s5+s2], $0x9000, $0x38;
	[tilespmem:$0x9180] =	vst v63  }
0x19: {  	_ =	swait.ge [sflag:s4], $0x9000  }
.Ltmp1:
0x1a: {  	[sflag:s4] =	ssyncset.done $0x0;
	(pc) =	sbr.rel @p0 .LBB2_1-.Ltmp1, $4  }
0x1b: {  	[sflag:s4] =	ssyncadd.s32 $0xFFFF7000  }
0x1c: {  	[hbm4b:s7+s9] =	stream.indirect.scatter [tilespmem:s6], [sflag:$0x1], $0x80, s2, s9, $0xb8;
	[tilespmem:$0x9180] =	vst v63  }
0x1d: {  	_ =	swait.ge [sflag:s8], $0x9000  }
0x1e: {  	[sflag:s8] =	ssyncset.done $0x0  }
.LBB2_2:
0x1f: {  	[sflag:s8] =	ssyncadd.s32 $0xFFFF7000  }
0x20: {  	_ =	sfence.sel $0x180000  }
0x21: {  	[bflag:$0x0] =	sbarrier.arrive $0xFFFF  }
0x22: {  	p0 =	sne.s32 s0, $0x0;
	_ =	strace $0x90000047  }
0x23: {  	s0 =	sadd.s32 @!p0 $0x100000, s1;
	[bflag:$0x2] =	sbarrier.arrive $0xFFFF  }
0x24: {  	[sflag:s0] =	ssyncadd.tile.s32 @!p0 $0x1;
	_ =	shalt  }
.Lfunc_end2:
_tile_overlayer_lowered:
.L_overlay_start_2:
0x25: {  	(tag) =	ssettag $0x2  }
0x26: {  	s0 =	rddreg [dreg:$0x0];
	s2 =	stileid.u32  }
0x27: {  	s1 =	rddreg [dreg:$0x1];
	p0 =	sne.s32 s2, $0x0  }
0x28: {  	s3 =	rddreg [dreg:$0x2];
	[bflag:$0x3] =	sbarrier.arrive $0xFFFF;
	s2 =	simm.s32 @!p0 $0x1C02  }
0x29: {  	[timem:s3], [sflag:s2] =	dma.local @!p0 [hbm:s0], s1  }
0x2a: {  	s0 =	simm.s32 @!p0 $0x2  }
0x2b: {  	_ =	swait.ge @!p0 [sflag:s0], s1  }
0x2c: {  	s1 =	ssub.s32 @!p0 $0x0, s1;
	[sflag:s0] =	ssyncset.done @!p0 $0x0  }
0x2d: {  	[sflag:s0] =	ssyncadd.s32 @!p0 s1  }
0x2e: {  	[bflag:$0x3] =	sbarrier.arrive $0xFFFF  }
0x2f: {  	_ =	shalt  }

</sc_bundles>
